<compile_context>
chip_gen: v7x
topology: tpu7x:2x2x1
jax: 0.10.2.dev20260603
libtpu: 0.0.44.dev20260713+nightly
codegen_flags: <defaults>
</compile_context>

<pallas_src>
import jax
import jax.numpy as jnp
from jax import lax
from jax.experimental import pallas as pl
from jax.experimental.pallas import tpu as pltpu
from jax.experimental.pallas import tpu_sc as plsc

B = 16
L = 2048
D = 512
PAD_VALUE = 0.0

NUM_CORES = 2
NUM_SUBCORES = 16
NW = NUM_CORES * NUM_SUBCORES
ROWS_W = (B * L) // NW
W_PER_B = L // ROWS_W
CHUNK = 64
ZROWS = 8


def _body(flat_hbm, cu_hbm, out_hbm, cu_v, zbuf, sem):
    wid = lax.axis_index("s") * NUM_CORES + lax.axis_index("c")
    b = wid // W_PER_B
    l0 = (wid % W_PER_B) * ROWS_W

    pltpu.sync_copy(cu_hbm, cu_v)
    v0 = cu_v[pl.ds(0, 16)]
    v1 = cu_v[pl.ds(1, 16)]
    lane = lax.iota(jnp.int32, 16)
    m = lane == b
    zero16 = jnp.zeros((16,), jnp.int32)
    cu_b = jnp.sum(jnp.where(m, v0, zero16))
    seg_len = jnp.sum(jnp.where(m, v1, zero16)) - cu_b
    valid = jnp.clip(seg_len - l0, 0, ROWS_W)

    zv = jnp.zeros((16,), jnp.float32)

    def zero_row(r, carry):
        for cidx in range(D // 16):
            zbuf[r, pl.ds(cidx * 16, 16)] = zv
        return carry

    lax.fori_loop(0, CHUNK, zero_row, 0)

    n_full = valid // CHUNK

    def copy_body(i, carry):
        src = cu_b + l0 + i * CHUNK
        dst = l0 + i * CHUNK
        pltpu.sync_copy(flat_hbm.at[pl.ds(src, CHUNK), :],
                        out_hbm.at[b, pl.ds(dst, CHUNK), :])
        return carry

    lax.fori_loop(0, n_full, copy_body, 0)

    cur = n_full * CHUNK
    rem = valid - cur
    sz = CHUNK // 2
    while sz >= 1:
        do = rem >= sz
        cur_c = cur
        sz_c = sz

        @pl.when(do)
        def _():
            pltpu.sync_copy(flat_hbm.at[pl.ds(cu_b + l0 + cur_c, sz_c), :],
                            out_hbm.at[b, pl.ds(l0 + cur_c, sz_c), :])

        step = jnp.where(do, sz, 0)
        cur = cur + step
        rem = rem - step
        sz //= 2

    n_pad = ROWS_W - valid
    n_pfull = n_pad // CHUNK

    def pad_body(i, carry):
        dst = l0 + valid + i * CHUNK
        pltpu.sync_copy(zbuf, out_hbm.at[b, pl.ds(dst, CHUNK), :])
        return carry

    lax.fori_loop(0, n_pfull, pad_body, 0)

    cur = valid + n_pfull * CHUNK
    rem = ROWS_W - cur
    sz = CHUNK // 2
    while sz >= 1:
        do = rem >= sz
        cur_c = cur
        sz_c = sz

        @pl.when(do)
        def _():
            pltpu.sync_copy(zbuf.at[pl.ds(0, sz_c), :],
                            out_hbm.at[b, pl.ds(l0 + cur_c, sz_c), :])

        step = jnp.where(do, sz, 0)
        cur = cur + step
        rem = rem - step
        sz //= 2


@jax.jit
def kernel(flat, cu_seqlens):
    mesh = plsc.VectorSubcoreMesh(core_axis_name="c", subcore_axis_name="s")
    return pl.kernel(
        _body,
        out_type=jax.ShapeDtypeStruct((B, L, D), jnp.float32),
        mesh=mesh,
        scratch_types=[
            pltpu.VMEM((B + 1,), jnp.int32),
            pltpu.VMEM((CHUNK, D), jnp.float32),
            pltpu.SemaphoreType.DMA,
        ],
        compiler_params=pltpu.CompilerParams(use_tc_tiling_on_sc=False,
                                             needs_layout_passes=False),
    )(flat, cu_seqlens)

# --- scband reference (transcript-rebuilt; emitter-appended) ---
"""Pipeline reference for scband-pad-and-stack-rec-74938589380649 (READ-ONLY COPY).

The authoritative reference and input builder live on the scoring server;
editing this copy changes nothing except your own understanding.
"""

import jax, jax.numpy as jnp
import numpy as np

PAD_VALUE = 0.0
B = 16
L = 2048
D = 512
_LENGTHS = np.array([512 + (i * 101) % 1536 for i in range(B)], dtype=np.int64)
TOTAL = int(_LENGTHS.sum())  # 20312


def setup_inputs(seed: int = 0) -> dict:
    key = jax.random.key(seed)
    k1, _ = jax.random.split(key)
    flat = jax.random.normal(k1, (TOTAL, D), dtype=jnp.float32)
    cu = np.zeros(B + 1, dtype=np.int32)
    cu[1:] = np.cumsum(_LENGTHS)
    cu_seqlens = jnp.asarray(cu, dtype=jnp.int32)
    return {"flat": flat, "cu_seqlens": cu_seqlens}


def reference(flat, cu_seqlens):
    # Faithful pad_and_stack_rec over a ragged list of B sequences represented
    # as (flat tokens, cu_seqlens): pad each sequence to length L with
    # PAD_VALUE and stack -> dense [B, L, D].
    total = flat.shape[0]
    tok = jnp.arange(total)
    # segment id of each token: i such that cu[i] <= t < cu[i+1]
    seg = jnp.searchsorted(cu_seqlens[1:], tok, side='right')
    off = tok - cu_seqlens[seg]
    padded = jnp.full((B, L, D), PAD_VALUE, dtype=flat.dtype)
    padded = padded.at[seg, off].set(flat)
    return padded

if __name__ == "__main__":
    import jax
    _d = setup_inputs()
    print(jax.jit(kernel)(*tuple(_d.values())))

</pallas_src>

<mosaic_0001>
#map = affine_map<(d0, d1) -> (0, 0)>
#map1 = affine_map<(d0, d1) -> (0)>
#map2 = affine_map<(d0, d1) -> (0, 0, 0)>
module attributes {stable_mosaic.version = 14 : i64} {
  func.func @_body(%arg0: i32, %arg1: i32, %arg2: memref<20312x512xf32, #tpu.memory_space<hbm>>, %arg3: memref<17xi32, #tpu.memory_space<hbm>>, %arg4: memref<16x2048x512xf32, #tpu.memory_space<hbm>>, %arg5: memref<17xi32, #tpu.memory_space<vmem>>, %arg6: memref<64x512xf32, #tpu.memory_space<vmem>>, %arg7: memref<!tpu.dma_semaphore, #tpu.memory_space<semaphore_mem>>) attributes {dimension_semantics = [#tpu.dimension_semantics<core_parallel>, #tpu.dimension_semantics<subcore_parallel>], iteration_bounds = array<i64: 2, 16>, scalar_prefetch = 0 : i64, scratch_operands = 3 : i64, tpu.core_type = #tpu.core_type<sc_vector_subcore>, window_params = [{transform_indices = #map}, {transform_indices = #map1}, {transform_indices = #map2}]} {
    %mul3A = arith.constant 2 : i32
    %mul3A_0 = arith.muli %arg1, %mul3A : i32
    %add3A = arith.addi %mul3A_0, %arg0 : i32
    %jit3A = arith.constant 2 : i32
    %div3A = arith.divsi %add3A, %jit3A : i32
    %sign3A = arith.constant 0 : i32
    %sign3A_1 = arith.cmpi sgt, %add3A, %sign3A : i32
    %sign3A_2 = arith.extui %sign3A_1 : i1 to i32
    %sign3A_3 = arith.constant 0 : i32
    %sign3A_4 = arith.cmpi slt, %add3A, %sign3A_3 : i32
    %sign3A_5 = arith.extui %sign3A_4 : i1 to i32
    %sign3A_6 = arith.subi %sign3A_2, %sign3A_5 : i32
    %sign3A_7 = arith.constant 0 : i32
    %sign3A_8 = arith.cmpi sgt, %jit3A, %sign3A_7 : i32
    %sign3A_9 = arith.extui %sign3A_8 : i1 to i32
    %sign3A_10 = arith.constant 0 : i32
    %sign3A_11 = arith.cmpi slt, %jit3A, %sign3A_10 : i32
    %sign3A_12 = arith.extui %sign3A_11 : i1 to i32
    %sign3A_13 = arith.subi %sign3A_9, %sign3A_12 : i32
    %ne3A = arith.cmpi ne, %sign3A_6, %sign3A_13 : i32
    %rem3A = arith.remsi %add3A, %jit3A : i32
    %ne3A_14 = arith.constant 0 : i32
    %ne3A_15 = arith.cmpi ne, %rem3A, %ne3A_14 : i32
    %and3A = arith.andi %ne3A, %ne3A_15 : i1
    %sub3A = arith.constant 1 : i32
    %sub3A_16 = arith.subi %div3A, %sub3A : i32
    %select_n3A = arith.select %and3A, %sub3A_16, %div3A : i32
    %jit3A_17 = arith.constant 2 : i32
    %eq3A = arith.constant 0 : i32
    %eq3A_18 = arith.cmpi eq, %jit3A_17, %eq3A : i32
    %jit3A_19 = arith.constant 1 : i32
    %select_n3A_20 = arith.select %eq3A_18, %jit3A_19, %jit3A_17 : i32
    %rem3A_21 = arith.remsi %add3A, %select_n3A_20 : i32
    %ne3A_22 = arith.constant 0 : i32
    %ne3A_23 = arith.cmpi ne, %rem3A_21, %ne3A_22 : i32
    %lt3A = arith.constant 0 : i32
    %lt3A_24 = arith.cmpi slt, %rem3A_21, %lt3A : i32
    %lt3A_25 = arith.constant 0 : i32
    %lt3A_26 = arith.cmpi slt, %select_n3A_20, %lt3A_25 : i32
    %ne3A_27 = arith.xori %lt3A_24, %lt3A_26 : i1
    %and3A_28 = arith.andi %ne3A_27, %ne3A_23 : i1
    %add3A_29 = arith.addi %rem3A_21, %select_n3A_20 : i32
    %select_n3A_30 = arith.select %and3A_28, %add3A_29, %rem3A_21 : i32
    %mul3A_31 = arith.constant 1024 : i32
    %mul3A_32 = arith.muli %select_n3A_30, %mul3A_31 : i32
    "tpu.region"() ({
      %run_scoped3A = tpu.sem_alloc : memref<!tpu.dma_semaphore, #tpu.memory_space<semaphore_mem>>
      tpu.enqueue_dma source(%arg3 : memref<17xi32, #tpu.memory_space<hbm>>) target(%arg5 : memref<17xi32, #tpu.memory_space<vmem>>) target_semaphore(%run_scoped3A : memref<!tpu.dma_semaphore, #tpu.memory_space<semaphore_mem>>)
      tpu.wait_dma2 semaphore(%run_scoped3A : memref<!tpu.dma_semaphore, #tpu.memory_space<semaphore_mem>>) src(%arg3 : memref<17xi32, #tpu.memory_space<hbm>>) dst(%arg5 : memref<17xi32, #tpu.memory_space<vmem>>)
      tpu.yield
    }) : () -> ()
    %get3A = arith.constant 0 : index
    %get3A_33 = tpu.vector_load %arg5[%get3A] {strides = array<i32>} : memref<17xi32, #tpu.memory_space<vmem>>, vector<16xi32>,
    %get3A_34 = arith.constant 1 : index
    %get3A_35 = tpu.vector_load %arg5[%get3A_34] {strides = array<i32>} : memref<17xi32, #tpu.memory_space<vmem>>, vector<16xi32>,
    %iota3A = tpu.iota {dimensions = array<i32: 0>} : vector<16xi32>
    %eq3A_36 = vector.broadcast %select_n3A : i32 to vector<16xi32>
    %eq3A_37 = arith.cmpi eq, %iota3A, %eq3A_36 : vector<16xi32>
    %broadcast_in_dim3A = arith.constant 0 : i32
    %broadcast_in_dim3A_38 = vector.broadcast %broadcast_in_dim3A : i32 to vector<16xi32>
    %select_n3A_39 = arith.select %eq3A_37, %get3A_33, %broadcast_in_dim3A_38 : vector<16xi1>, vector<16xi32>
    %reduce_sum3A = arith.constant true
    %reduce_sum3A_40 = vector.broadcast %reduce_sum3A : i1 to vector<16xi1>
    %reduce_sum3A_41 = tpu.scan <sum>, %select_n3A_39 masked %reduce_sum3A_40 : vector<16xi32>, vector<16xi1> -> vector<16xi32>
    %reduce_sum3A_42 = vector.extract %reduce_sum3A_41[15] : i32 from vector<16xi32>
    %select_n3A_43 = arith.select %eq3A_37, %get3A_35, %broadcast_in_dim3A_38 : vector<16xi1>, vector<16xi32>
    %reduce_sum3A_44 = arith.constant true
    %reduce_sum3A_45 = vector.broadcast %reduce_sum3A_44 : i1 to vector<16xi1>
    %reduce_sum3A_46 = tpu.scan <sum>, %select_n3A_43 masked %reduce_sum3A_45 : vector<16xi32>, vector<16xi1> -> vector<16xi32>
    %reduce_sum3A_47 = vector.extract %reduce_sum3A_46[15] : i32 from vector<16xi32>
    %sub3A_48 = arith.subi %reduce_sum3A_47, %reduce_sum3A_42 : i32
    %sub3A_49 = arith.subi %sub3A_48, %mul3A_32 : i32
    %jit3A_50 = arith.constant 0 : i32
    %jit3A_51 = arith.constant 1024 : i32
    %max3A = arith.maxsi %jit3A_50, %sub3A_49 : i32
    %min3A = arith.minsi %jit3A_51, %max3A : i32
    %broadcast_in_dim3A_52 = arith.constant 0.000000e+00 : f32
    %broadcast_in_dim3A_53 = vector.broadcast %broadcast_in_dim3A_52 : f32 to vector<16xf32>
    %scan3A = arith.constant 0 : i32
    %scan3A_54 = arith.constant 0 : i32
    %scan3A_55 = arith.constant 64 : i32
    %scan3A_56 = arith.addi %scan3A_54, %scan3A_55 : i32
    %scan3A_57 = arith.constant 1 : i32
    scf.for %scan3A_253 = %scan3A_54 to %scan3A_56 step %scan3A_57  : i32 {
      %swap3A = arith.index_cast %scan3A_253 : i32 to index
      %swap3A_254 = arith.constant 0 : index
      %swap3A_255 = tpu.vector_load %arg6[%swap3A, %swap3A_254] {strides = array<i32>} : memref<64x512xf32, #tpu.memory_space<vmem>>, vector<16xf32>,
      tpu.vector_store %arg6[%swap3A, %swap3A_254], %broadcast_in_dim3A_53 {strides = array<i32>} : memref<64x512xf32, #tpu.memory_space<vmem>>, vector<16xf32>,
      %swap3A_256 = arith.index_cast %scan3A_253 : i32 to index
      %swap3A_257 = arith.constant 16 : index
      %swap3A_258 = tpu.vector_load %arg6[%swap3A_256, %swap3A_257] {strides = array<i32>} : memref<64x512xf32, #tpu.memory_space<vmem>>, vector<16xf32>,
      tpu.vector_store %arg6[%swap3A_256, %swap3A_257], %broadcast_in_dim3A_53 {strides = array<i32>} : memref<64x512xf32, #tpu.memory_space<vmem>>, vector<16xf32>,
      %swap3A_259 = arith.index_cast %scan3A_253 : i32 to index
      %swap3A_260 = arith.constant 32 : index
      %swap3A_261 = tpu.vector_load %arg6[%swap3A_259, %swap3A_260] {strides = array<i32>} : memref<64x512xf32, #tpu.memory_space<vmem>>, vector<16xf32>,
      tpu.vector_store %arg6[%swap3A_259, %swap3A_260], %broadcast_in_dim3A_53 {strides = array<i32>} : memref<64x512xf32, #tpu.memory_space<vmem>>, vector<16xf32>,
      %swap3A_262 = arith.index_cast %scan3A_253 : i32 to index
      %swap3A_263 = arith.constant 48 : index
      %swap3A_264 = tpu.vector_load %arg6[%swap3A_262, %swap3A_263] {strides = array<i32>} : memref<64x512xf32, #tpu.memory_space<vmem>>, vector<16xf32>,
      tpu.vector_store %arg6[%swap3A_262, %swap3A_263], %broadcast_in_dim3A_53 {strides = array<i32>} : memref<64x512xf32, #tpu.memory_space<vmem>>, vector<16xf32>,
      %swap3A_265 = arith.index_cast %scan3A_253 : i32 to index
      %swap3A_266 = arith.constant 64 : index
      %swap3A_267 = tpu.vector_load %arg6[%swap3A_265, %swap3A_266] {strides = array<i32>} : memref<64x512xf32, #tpu.memory_space<vmem>>, vector<16xf32>,
      tpu.vector_store %arg6[%swap3A_265, %swap3A_266], %broadcast_in_dim3A_53 {strides = array<i32>} : memref<64x512xf32, #tpu.memory_space<vmem>>, vector<16xf32>,
      %swap3A_268 = arith.index_cast %scan3A_253 : i32 to index
      %swap3A_269 = arith.constant 80 : index
      %swap3A_270 = tpu.vector_load %arg6[%swap3A_268, %swap3A_269] {strides = array<i32>} : memref<64x512xf32, #tpu.memory_space<vmem>>, vector<16xf32>,
      tpu.vector_store %arg6[%swap3A_268, %swap3A_269], %broadcast_in_dim3A_53 {strides = array<i32>} : memref<64x512xf32, #tpu.memory_space<vmem>>, vector<16xf32>,
      %swap3A_271 = arith.index_cast %scan3A_253 : i32 to index
      %swap3A_272 = arith.constant 96 : index
      %swap3A_273 = tpu.vector_load %arg6[%swap3A_271, %swap3A_272] {strides = array<i32>} : memref<64x512xf32, #tpu.memory_space<vmem>>, vector<16xf32>,
      tpu.vector_store %arg6[%swap3A_271, %swap3A_272], %broadcast_in_dim3A_53 {strides = array<i32>} : memref<64x512xf32, #tpu.memory_space<vmem>>, vector<16xf32>,
      %swap3A_274 = arith.index_cast %scan3A_253 : i32 to index
      %swap3A_275 = arith.constant 112 : index
      %swap3A_276 = tpu.vector_load %arg6[%swap3A_274, %swap3A_275] {strides = array<i32>} : memref<64x512xf32, #tpu.memory_space<vmem>>, vector<16xf32>,
      tpu.vector_store %arg6[%swap3A_274, %swap3A_275], %broadcast_in_dim3A_53 {strides = array<i32>} : memref<64x512xf32, #tpu.memory_space<vmem>>, vector<16xf32>,
      %swap3A_277 = arith.index_cast %scan3A_253 : i32 to index
      %swap3A_278 = arith.constant 128 : index
      %swap3A_279 = tpu.vector_load %arg6[%swap3A_277, %swap3A_278] {strides = array<i32>} : memref<64x512xf32, #tpu.memory_space<vmem>>, vector<16xf32>,
      tpu.vector_store %arg6[%swap3A_277, %swap3A_278], %broadcast_in_dim3A_53 {strides = array<i32>} : memref<64x512xf32, #tpu.memory_space<vmem>>, vector<16xf32>,
      %swap3A_280 = arith.index_cast %scan3A_253 : i32 to index
      %swap3A_281 = arith.constant 144 : index
      %swap3A_282 = tpu.vector_load %arg6[%swap3A_280, %swap3A_281] {strides = array<i32>} : memref<64x512xf32, #tpu.memory_space<vmem>>, vector<16xf32>,
      tpu.vector_store %arg6[%swap3A_280, %swap3A_281], %broadcast_in_dim3A_53 {strides = array<i32>} : memref<64x512xf32, #tpu.memory_space<vmem>>, vector<16xf32>,
      %swap3A_283 = arith.index_cast %scan3A_253 : i32 to index
      %swap3A_284 = arith.constant 160 : index
      %swap3A_285 = tpu.vector_load %arg6[%swap3A_283, %swap3A_284] {strides = array<i32>} : memref<64x512xf32, #tpu.memory_space<vmem>>, vector<16xf32>,
      tpu.vector_store %arg6[%swap3A_283, %swap3A_284], %broadcast_in_dim3A_53 {strides = array<i32>} : memref<64x512xf32, #tpu.memory_space<vmem>>, vector<16xf32>,
      %swap3A_286 = arith.index_cast %scan3A_253 : i32 to index
      %swap3A_287 = arith.constant 176 : index
      %swap3A_288 = tpu.vector_load %arg6[%swap3A_286, %swap3A_287] {strides = array<i32>} : memref<64x512xf32, #tpu.memory_space<vmem>>, vector<16xf32>,
      tpu.vector_store %arg6[%swap3A_286, %swap3A_287], %broadcast_in_dim3A_53 {strides = array<i32>} : memref<64x512xf32, #tpu.memory_space<vmem>>, vector<16xf32>,
      %swap3A_289 = arith.index_cast %scan3A_253 : i32 to index
      %swap3A_290 = arith.constant 192 : index
      %swap3A_291 = tpu.vector_load %arg6[%swap3A_289, %swap3A_290] {strides = array<i32>} : memref<64x512xf32, #tpu.memory_space<vmem>>, vector<16xf32>,
      tpu.vector_store %arg6[%swap3A_289, %swap3A_290], %broadcast_in_dim3A_53 {strides = array<i32>} : memref<64x512xf32, #tpu.memory_space<vmem>>, vector<16xf32>,
      %swap3A_292 = arith.index_cast %scan3A_253 : i32 to index
      %swap3A_293 = arith.constant 208 : index
      %swap3A_294 = tpu.vector_load %arg6[%swap3A_292, %swap3A_293] {strides = array<i32>} : memref<64x512xf32, #tpu.memory_space<vmem>>, vector<16xf32>,
      tpu.vector_store %arg6[%swap3A_292, %swap3A_293], %broadcast_in_dim3A_53 {strides = array<i32>} : memref<64x512xf32, #tpu.memory_space<vmem>>, vector<16xf32>,
      %swap3A_295 = arith.index_cast %scan3A_253 : i32 to index
      %swap3A_296 = arith.constant 224 : index
      %swap3A_297 = tpu.vector_load %arg6[%swap3A_295, %swap3A_296] {strides = array<i32>} : memref<64x512xf32, #tpu.memory_space<vmem>>, vector<16xf32>,
      tpu.vector_store %arg6[%swap3A_295, %swap3A_296], %broadcast_in_dim3A_53 {strides = array<i32>} : memref<64x512xf32, #tpu.memory_space<vmem>>, vector<16xf32>,
      %swap3A_298 = arith.index_cast %scan3A_253 : i32 to index
      %swap3A_299 = arith.constant 240 : index
      %swap3A_300 = tpu.vector_load %arg6[%swap3A_298, %swap3A_299] {strides = array<i32>} : memref<64x512xf32, #tpu.memory_space<vmem>>, vector<16xf32>,
      tpu.vector_store %arg6[%swap3A_298, %swap3A_299], %broadcast_in_dim3A_53 {strides = array<i32>} : memref<64x512xf32, #tpu.memory_space<vmem>>, vector<16xf32>,
      %swap3A_301 = arith.index_cast %scan3A_253 : i32 to index
      %swap3A_302 = arith.constant 256 : index
      %swap3A_303 = tpu.vector_load %arg6[%swap3A_301, %swap3A_302] {strides = array<i32>} : memref<64x512xf32, #tpu.memory_space<vmem>>, vector<16xf32>,
      tpu.vector_store %arg6[%swap3A_301, %swap3A_302], %broadcast_in_dim3A_53 {strides = array<i32>} : memref<64x512xf32, #tpu.memory_space<vmem>>, vector<16xf32>,
      %swap3A_304 = arith.index_cast %scan3A_253 : i32 to index
      %swap3A_305 = arith.constant 272 : index
      %swap3A_306 = tpu.vector_load %arg6[%swap3A_304, %swap3A_305] {strides = array<i32>} : memref<64x512xf32, #tpu.memory_space<vmem>>, vector<16xf32>,
      tpu.vector_store %arg6[%swap3A_304, %swap3A_305], %broadcast_in_dim3A_53 {strides = array<i32>} : memref<64x512xf32, #tpu.memory_space<vmem>>, vector<16xf32>,
      %swap3A_307 = arith.index_cast %scan3A_253 : i32 to index
      %swap3A_308 = arith.constant 288 : index
      %swap3A_309 = tpu.vector_load %arg6[%swap3A_307, %swap3A_308] {strides = array<i32>} : memref<64x512xf32, #tpu.memory_space<vmem>>, vector<16xf32>,
      tpu.vector_store %arg6[%swap3A_307, %swap3A_308], %broadcast_in_dim3A_53 {strides = array<i32>} : memref<64x512xf32, #tpu.memory_space<vmem>>, vector<16xf32>,
      %swap3A_310 = arith.index_cast %scan3A_253 : i32 to index
      %swap3A_311 = arith.constant 304 : index
      %swap3A_312 = tpu.vector_load %arg6[%swap3A_310, %swap3A_311] {strides = array<i32>} : memref<64x512xf32, #tpu.memory_space<vmem>>, vector<16xf32>,
      tpu.vector_store %arg6[%swap3A_310, %swap3A_311], %broadcast_in_dim3A_53 {strides = array<i32>} : memref<64x512xf32, #tpu.memory_space<vmem>>, vector<16xf32>,
      %swap3A_313 = arith.index_cast %scan3A_253 : i32 to index
      %swap3A_314 = arith.constant 320 : index
      %swap3A_315 = tpu.vector_load %arg6[%swap3A_313, %swap3A_314] {strides = array<i32>} : memref<64x512xf32, #tpu.memory_space<vmem>>, vector<16xf32>,
      tpu.vector_store %arg6[%swap3A_313, %swap3A_314], %broadcast_in_dim3A_53 {strides = array<i32>} : memref<64x512xf32, #tpu.memory_space<vmem>>, vector<16xf32>,
      %swap3A_316 = arith.index_cast %scan3A_253 : i32 to index
      %swap3A_317 = arith.constant 336 : index
      %swap3A_318 = tpu.vector_load %arg6[%swap3A_316, %swap3A_317] {strides = array<i32>} : memref<64x512xf32, #tpu.memory_space<vmem>>, vector<16xf32>,
      tpu.vector_store %arg6[%swap3A_316, %swap3A_317], %broadcast_in_dim3A_53 {strides = array<i32>} : memref<64x512xf32, #tpu.memory_space<vmem>>, vector<16xf32>,
      %swap3A_319 = arith.index_cast %scan3A_253 : i32 to index
      %swap3A_320 = arith.constant 352 : index
      %swap3A_321 = tpu.vector_load %arg6[%swap3A_319, %swap3A_320] {strides = array<i32>} : memref<64x512xf32, #tpu.memory_space<vmem>>, vector<16xf32>,
      tpu.vector_store %arg6[%swap3A_319, %swap3A_320], %broadcast_in_dim3A_53 {strides = array<i32>} : memref<64x512xf32, #tpu.memory_space<vmem>>, vector<16xf32>,
      %swap3A_322 = arith.index_cast %scan3A_253 : i32 to index
      %swap3A_323 = arith.constant 368 : index
      %swap3A_324 = tpu.vector_load %arg6[%swap3A_322, %swap3A_323] {strides = array<i32>} : memref<64x512xf32, #tpu.memory_space<vmem>>, vector<16xf32>,
      tpu.vector_store %arg6[%swap3A_322, %swap3A_323], %broadcast_in_dim3A_53 {strides = array<i32>} : memref<64x512xf32, #tpu.memory_space<vmem>>, vector<16xf32>,
      %swap3A_325 = arith.index_cast %scan3A_253 : i32 to index
      %swap3A_326 = arith.constant 384 : index
      %swap3A_327 = tpu.vector_load %arg6[%swap3A_325, %swap3A_326] {strides = array<i32>} : memref<64x512xf32, #tpu.memory_space<vmem>>, vector<16xf32>,
      tpu.vector_store %arg6[%swap3A_325, %swap3A_326], %broadcast_in_dim3A_53 {strides = array<i32>} : memref<64x512xf32, #tpu.memory_space<vmem>>, vector<16xf32>,
      %swap3A_328 = arith.index_cast %scan3A_253 : i32 to index
      %swap3A_329 = arith.constant 400 : index
      %swap3A_330 = tpu.vector_load %arg6[%swap3A_328, %swap3A_329] {strides = array<i32>} : memref<64x512xf32, #tpu.memory_space<vmem>>, vector<16xf32>,
      tpu.vector_store %arg6[%swap3A_328, %swap3A_329], %broadcast_in_dim3A_53 {strides = array<i32>} : memref<64x512xf32, #tpu.memory_space<vmem>>, vector<16xf32>,
      %swap3A_331 = arith.index_cast %scan3A_253 : i32 to index
      %swap3A_332 = arith.constant 416 : index
      %swap3A_333 = tpu.vector_load %arg6[%swap3A_331, %swap3A_332] {strides = array<i32>} : memref<64x512xf32, #tpu.memory_space<vmem>>, vector<16xf32>,
      tpu.vector_store %arg6[%swap3A_331, %swap3A_332], %broadcast_in_dim3A_53 {strides = array<i32>} : memref<64x512xf32, #tpu.memory_space<vmem>>, vector<16xf32>,
      %swap3A_334 = arith.index_cast %scan3A_253 : i32 to index
      %swap3A_335 = arith.constant 432 : index
      %swap3A_336 = tpu.vector_load %arg6[%swap3A_334, %swap3A_335] {strides = array<i32>} : memref<64x512xf32, #tpu.memory_space<vmem>>, vector<16xf32>,
      tpu.vector_store %arg6[%swap3A_334, %swap3A_335], %broadcast_in_dim3A_53 {strides = array<i32>} : memref<64x512xf32, #tpu.memory_space<vmem>>, vector<16xf32>,
      %swap3A_337 = arith.index_cast %scan3A_253 : i32 to index
      %swap3A_338 = arith.constant 448 : index
      %swap3A_339 = tpu.vector_load %arg6[%swap3A_337, %swap3A_338] {strides = array<i32>} : memref<64x512xf32, #tpu.memory_space<vmem>>, vector<16xf32>,
      tpu.vector_store %arg6[%swap3A_337, %swap3A_338], %broadcast_in_dim3A_53 {strides = array<i32>} : memref<64x512xf32, #tpu.memory_space<vmem>>, vector<16xf32>,
      %swap3A_340 = arith.index_cast %scan3A_253 : i32 to index
      %swap3A_341 = arith.constant 464 : index
      %swap3A_342 = tpu.vector_load %arg6[%swap3A_340, %swap3A_341] {strides = array<i32>} : memref<64x512xf32, #tpu.memory_space<vmem>>, vector<16xf32>,
      tpu.vector_store %arg6[%swap3A_340, %swap3A_341], %broadcast_in_dim3A_53 {strides = array<i32>} : memref<64x512xf32, #tpu.memory_space<vmem>>, vector<16xf32>,
      %swap3A_343 = arith.index_cast %scan3A_253 : i32 to index
      %swap3A_344 = arith.constant 480 : index
      %swap3A_345 = tpu.vector_load %arg6[%swap3A_343, %swap3A_344] {strides = array<i32>} : memref<64x512xf32, #tpu.memory_space<vmem>>, vector<16xf32>,
      tpu.vector_store %arg6[%swap3A_343, %swap3A_344], %broadcast_in_dim3A_53 {strides = array<i32>} : memref<64x512xf32, #tpu.memory_space<vmem>>, vector<16xf32>,
      %swap3A_346 = arith.index_cast %scan3A_253 : i32 to index
      %swap3A_347 = arith.constant 496 : index
      %swap3A_348 = tpu.vector_load %arg6[%swap3A_346, %swap3A_347] {strides = array<i32>} : memref<64x512xf32, #tpu.memory_space<vmem>>, vector<16xf32>,
      tpu.vector_store %arg6[%swap3A_346, %swap3A_347], %broadcast_in_dim3A_53 {strides = array<i32>} : memref<64x512xf32, #tpu.memory_space<vmem>>, vector<16xf32>,
    }
    %scan3A_58 = arith.constant 64 : i32
    %jit3A_59 = arith.constant 64 : i32
    %div3A_60 = arith.divsi %min3A, %jit3A_59 : i32
    %sign3A_61 = arith.constant 0 : i32
    %sign3A_62 = arith.cmpi sgt, %min3A, %sign3A_61 : i32
    %sign3A_63 = arith.extui %sign3A_62 : i1 to i32
    %sign3A_64 = arith.constant 0 : i32
    %sign3A_65 = arith.cmpi slt, %min3A, %sign3A_64 : i32
    %sign3A_66 = arith.extui %sign3A_65 : i1 to i32
    %sign3A_67 = arith.subi %sign3A_63, %sign3A_66 : i32
    %sign3A_68 = arith.constant 0 : i32
    %sign3A_69 = arith.cmpi sgt, %jit3A_59, %sign3A_68 : i32
    %sign3A_70 = arith.extui %sign3A_69 : i1 to i32
    %sign3A_71 = arith.constant 0 : i32
    %sign3A_72 = arith.cmpi slt, %jit3A_59, %sign3A_71 : i32
    %sign3A_73 = arith.extui %sign3A_72 : i1 to i32
    %sign3A_74 = arith.subi %sign3A_70, %sign3A_73 : i32
    %ne3A_75 = arith.cmpi ne, %sign3A_67, %sign3A_74 : i32
    %rem3A_76 = arith.remsi %min3A, %jit3A_59 : i32
    %ne3A_77 = arith.constant 0 : i32
    %ne3A_78 = arith.cmpi ne, %rem3A_76, %ne3A_77 : i32
    %and3A_79 = arith.andi %ne3A_75, %ne3A_78 : i1
    %sub3A_80 = arith.constant 1 : i32
    %sub3A_81 = arith.subi %div3A_60, %sub3A_80 : i32
    %select_n3A_82 = arith.select %and3A_79, %sub3A_81, %div3A_60 : i32
    %while3A = arith.constant 0 : i32
    %while3A_83 = arith.constant 0 : i32
    %while3A_84 = arith.subi %select_n3A_82, %while3A_83 : i32
    %while3A_85 = arith.addi %while3A_83, %while3A_84 : i32
    %while3A_86 = arith.constant 1 : i32
    %while3A_87 = arith.divsi %while3A_84, %while3A_86 : i32
    %while3A_88 = arith.muli %while3A_87, %while3A_86 : i32
    %while3A_89 = arith.addi %while3A_83, %while3A_88 : i32
    %while3A_90 = arith.constant 1 : i32
    scf.for %while3A_253 = %while3A_83 to %while3A_89 step %while3A_90  : i32 {
      %add3A_254 = arith.addi %reduce_sum3A_42, %mul3A_32 : i32
      %mul3A_255 = arith.constant 64 : i32
      %mul3A_256 = arith.muli %while3A_253, %mul3A_255 : i32
      %add3A_257 = arith.addi %add3A_254, %mul3A_256 : i32
      %mul3A_258 = arith.constant 64 : i32
      %mul3A_259 = arith.muli %while3A_253, %mul3A_258 : i32
      %add3A_260 = arith.addi %mul3A_32, %mul3A_259 : i32
      "tpu.region"() ({
        %run_scoped3A = tpu.sem_alloc : memref<!tpu.dma_semaphore, #tpu.memory_space<semaphore_mem>>
        %dma_start3A = arith.constant 0 : i32
        %dma_start3A_261 = tpu.memref_slice %arg4[%select_n3A, %add3A_260, %dma_start3A] : memref<16x2048x512xf32, #tpu.memory_space<hbm>> -> memref<1x64x512xf32, #tpu.memory_space<hbm>>
        %dma_start3A_262 = tpu.memref_squeeze %dma_start3A_261 : memref<1x64x512xf32, #tpu.memory_space<hbm>> -> memref<64x512xf32, #tpu.memory_space<hbm>>
        %dma_start3A_263 = arith.constant 0 : i32
        %dma_start3A_264 = tpu.memref_slice %arg2[%add3A_257, %dma_start3A_263] : memref<20312x512xf32, #tpu.memory_space<hbm>> -> memref<64x512xf32, #tpu.memory_space<hbm>>
        tpu.enqueue_dma source(%dma_start3A_264 : memref<64x512xf32, #tpu.memory_space<hbm>>) target(%dma_start3A_262 : memref<64x512xf32, #tpu.memory_space<hbm>>) target_semaphore(%run_scoped3A : memref<!tpu.dma_semaphore, #tpu.memory_space<semaphore_mem>>)
        %dma_wait3A = arith.constant 0 : i32
        %dma_wait3A_265 = tpu.memref_slice %arg4[%select_n3A, %add3A_260, %dma_wait3A] : memref<16x2048x512xf32, #tpu.memory_space<hbm>> -> memref<1x64x512xf32, #tpu.memory_space<hbm>>
        %dma_wait3A_266 = tpu.memref_squeeze %dma_wait3A_265 : memref<1x64x512xf32, #tpu.memory_space<hbm>> -> memref<64x512xf32, #tpu.memory_space<hbm>>
        %dma_wait3A_267 = arith.constant 0 : i32
        %dma_wait3A_268 = tpu.memref_slice %arg2[%add3A_257, %dma_wait3A_267] : memref<20312x512xf32, #tpu.memory_space<hbm>> -> memref<64x512xf32, #tpu.memory_space<hbm>>
        tpu.wait_dma2 semaphore(%run_scoped3A : memref<!tpu.dma_semaphore, #tpu.memory_space<semaphore_mem>>) src(%dma_wait3A_268 : memref<64x512xf32, #tpu.memory_space<hbm>>) dst(%dma_wait3A_266 : memref<64x512xf32, #tpu.memory_space<hbm>>)
        tpu.yield
      }) : () -> ()
    }
    %while3A_91 = arith.constant 1 : i32
    scf.for %while3A_253 = %while3A_89 to %while3A_85 step %while3A_91  : i32 {
      %add3A_254 = arith.addi %reduce_sum3A_42, %mul3A_32 : i32
      %mul3A_255 = arith.constant 64 : i32
      %mul3A_256 = arith.muli %while3A_253, %mul3A_255 : i32
      %add3A_257 = arith.addi %add3A_254, %mul3A_256 : i32
      %mul3A_258 = arith.constant 64 : i32
      %mul3A_259 = arith.muli %while3A_253, %mul3A_258 : i32
      %add3A_260 = arith.addi %mul3A_32, %mul3A_259 : i32
      "tpu.region"() ({
        %run_scoped3A = tpu.sem_alloc : memref<!tpu.dma_semaphore, #tpu.memory_space<semaphore_mem>>
        %dma_start3A = arith.constant 0 : i32
        %dma_start3A_261 = tpu.memref_slice %arg4[%select_n3A, %add3A_260, %dma_start3A] : memref<16x2048x512xf32, #tpu.memory_space<hbm>> -> memref<1x64x512xf32, #tpu.memory_space<hbm>>
        %dma_start3A_262 = tpu.memref_squeeze %dma_start3A_261 : memref<1x64x512xf32, #tpu.memory_space<hbm>> -> memref<64x512xf32, #tpu.memory_space<hbm>>
        %dma_start3A_263 = arith.constant 0 : i32
        %dma_start3A_264 = tpu.memref_slice %arg2[%add3A_257, %dma_start3A_263] : memref<20312x512xf32, #tpu.memory_space<hbm>> -> memref<64x512xf32, #tpu.memory_space<hbm>>
        tpu.enqueue_dma source(%dma_start3A_264 : memref<64x512xf32, #tpu.memory_space<hbm>>) target(%dma_start3A_262 : memref<64x512xf32, #tpu.memory_space<hbm>>) target_semaphore(%run_scoped3A : memref<!tpu.dma_semaphore, #tpu.memory_space<semaphore_mem>>)
        %dma_wait3A = arith.constant 0 : i32
        %dma_wait3A_265 = tpu.memref_slice %arg4[%select_n3A, %add3A_260, %dma_wait3A] : memref<16x2048x512xf32, #tpu.memory_space<hbm>> -> memref<1x64x512xf32, #tpu.memory_space<hbm>>
        %dma_wait3A_266 = tpu.memref_squeeze %dma_wait3A_265 : memref<1x64x512xf32, #tpu.memory_space<hbm>> -> memref<64x512xf32, #tpu.memory_space<hbm>>
        %dma_wait3A_267 = arith.constant 0 : i32
        %dma_wait3A_268 = tpu.memref_slice %arg2[%add3A_257, %dma_wait3A_267] : memref<20312x512xf32, #tpu.memory_space<hbm>> -> memref<64x512xf32, #tpu.memory_space<hbm>>
        tpu.wait_dma2 semaphore(%run_scoped3A : memref<!tpu.dma_semaphore, #tpu.memory_space<semaphore_mem>>) src(%dma_wait3A_268 : memref<64x512xf32, #tpu.memory_space<hbm>>) dst(%dma_wait3A_266 : memref<64x512xf32, #tpu.memory_space<hbm>>)
        tpu.yield
      }) : () -> ()
    }
    %mul3A_92 = arith.constant 64 : i32
    %mul3A_93 = arith.muli %select_n3A_82, %mul3A_92 : i32
    %sub3A_94 = arith.subi %min3A, %mul3A_93 : i32
    %ge3A = arith.constant 32 : i32
    %ge3A_95 = arith.cmpi sge, %sub3A_94, %ge3A : i32
    %convert_element_type3A = arith.extui %ge3A_95 : i1 to i32
    %cond3A = arith.constant 0 : i32
    %cond3A_96 = arith.cmpi ne, %convert_element_type3A, %cond3A : i32
    scf.if %cond3A_96 {
      %add3A_253 = arith.addi %reduce_sum3A_42, %mul3A_32 : i32
      %add3A_254 = arith.addi %add3A_253, %mul3A_93 : i32
      %add3A_255 = arith.addi %mul3A_32, %mul3A_93 : i32
      "tpu.region"() ({
        %run_scoped3A = tpu.sem_alloc : memref<!tpu.dma_semaphore, #tpu.memory_space<semaphore_mem>>
        %dma_start3A = arith.constant 0 : i32
        %dma_start3A_256 = tpu.memref_slice %arg4[%select_n3A, %add3A_255, %dma_start3A] : memref<16x2048x512xf32, #tpu.memory_space<hbm>> -> memref<1x32x512xf32, #tpu.memory_space<hbm>>
        %dma_start3A_257 = tpu.memref_squeeze %dma_start3A_256 : memref<1x32x512xf32, #tpu.memory_space<hbm>> -> memref<32x512xf32, #tpu.memory_space<hbm>>
        %dma_start3A_258 = arith.constant 0 : i32
        %dma_start3A_259 = tpu.memref_slice %arg2[%add3A_254, %dma_start3A_258] : memref<20312x512xf32, #tpu.memory_space<hbm>> -> memref<32x512xf32, #tpu.memory_space<hbm>>
        tpu.enqueue_dma source(%dma_start3A_259 : memref<32x512xf32, #tpu.memory_space<hbm>>) target(%dma_start3A_257 : memref<32x512xf32, #tpu.memory_space<hbm>>) target_semaphore(%run_scoped3A : memref<!tpu.dma_semaphore, #tpu.memory_space<semaphore_mem>>)
        %dma_wait3A = arith.constant 0 : i32
        %dma_wait3A_260 = tpu.memref_slice %arg4[%select_n3A, %add3A_255, %dma_wait3A] : memref<16x2048x512xf32, #tpu.memory_space<hbm>> -> memref<1x32x512xf32, #tpu.memory_space<hbm>>
        %dma_wait3A_261 = tpu.memref_squeeze %dma_wait3A_260 : memref<1x32x512xf32, #tpu.memory_space<hbm>> -> memref<32x512xf32, #tpu.memory_space<hbm>>
        %dma_wait3A_262 = arith.constant 0 : i32
        %dma_wait3A_263 = tpu.memref_slice %arg2[%add3A_254, %dma_wait3A_262] : memref<20312x512xf32, #tpu.memory_space<hbm>> -> memref<32x512xf32, #tpu.memory_space<hbm>>
        tpu.wait_dma2 semaphore(%run_scoped3A : memref<!tpu.dma_semaphore, #tpu.memory_space<semaphore_mem>>) src(%dma_wait3A_263 : memref<32x512xf32, #tpu.memory_space<hbm>>) dst(%dma_wait3A_261 : memref<32x512xf32, #tpu.memory_space<hbm>>)
        tpu.yield
      }) : () -> ()
    } else {
    }
    %jit3A_97 = arith.constant 32 : i32
    %jit3A_98 = arith.constant 0 : i32
    %select_n3A_99 = arith.select %ge3A_95, %jit3A_97, %jit3A_98 : i32
    %add3A_100 = arith.addi %mul3A_93, %select_n3A_99 : i32
    %sub3A_101 = arith.subi %sub3A_94, %select_n3A_99 : i32
    %ge3A_102 = arith.constant 16 : i32
    %ge3A_103 = arith.cmpi sge, %sub3A_101, %ge3A_102 : i32
    %convert_element_type3A_104 = arith.extui %ge3A_103 : i1 to i32
    %cond3A_105 = arith.constant 0 : i32
    %cond3A_106 = arith.cmpi ne, %convert_element_type3A_104, %cond3A_105 : i32
    scf.if %cond3A_106 {
      %add3A_253 = arith.addi %reduce_sum3A_42, %mul3A_32 : i32
      %add3A_254 = arith.addi %add3A_253, %add3A_100 : i32
      %add3A_255 = arith.addi %mul3A_32, %add3A_100 : i32
      "tpu.region"() ({
        %run_scoped3A = tpu.sem_alloc : memref<!tpu.dma_semaphore, #tpu.memory_space<semaphore_mem>>
        %dma_start3A = arith.constant 0 : i32
        %dma_start3A_256 = tpu.memref_slice %arg4[%select_n3A, %add3A_255, %dma_start3A] : memref<16x2048x512xf32, #tpu.memory_space<hbm>> -> memref<1x16x512xf32, #tpu.memory_space<hbm>>
        %dma_start3A_257 = tpu.memref_squeeze %dma_start3A_256 : memref<1x16x512xf32, #tpu.memory_space<hbm>> -> memref<16x512xf32, #tpu.memory_space<hbm>>
        %dma_start3A_258 = arith.constant 0 : i32
        %dma_start3A_259 = tpu.memref_slice %arg2[%add3A_254, %dma_start3A_258] : memref<20312x512xf32, #tpu.memory_space<hbm>> -> memref<16x512xf32, #tpu.memory_space<hbm>>
        tpu.enqueue_dma source(%dma_start3A_259 : memref<16x512xf32, #tpu.memory_space<hbm>>) target(%dma_start3A_257 : memref<16x512xf32, #tpu.memory_space<hbm>>) target_semaphore(%run_scoped3A : memref<!tpu.dma_semaphore, #tpu.memory_space<semaphore_mem>>)
        %dma_wait3A = arith.constant 0 : i32
        %dma_wait3A_260 = tpu.memref_slice %arg4[%select_n3A, %add3A_255, %dma_wait3A] : memref<16x2048x512xf32, #tpu.memory_space<hbm>> -> memref<1x16x512xf32, #tpu.memory_space<hbm>>
        %dma_wait3A_261 = tpu.memref_squeeze %dma_wait3A_260 : memref<1x16x512xf32, #tpu.memory_space<hbm>> -> memref<16x512xf32, #tpu.memory_space<hbm>>
        %dma_wait3A_262 = arith.constant 0 : i32
        %dma_wait3A_263 = tpu.memref_slice %arg2[%add3A_254, %dma_wait3A_262] : memref<20312x512xf32, #tpu.memory_space<hbm>> -> memref<16x512xf32, #tpu.memory_space<hbm>>
        tpu.wait_dma2 semaphore(%run_scoped3A : memref<!tpu.dma_semaphore, #tpu.memory_space<semaphore_mem>>) src(%dma_wait3A_263 : memref<16x512xf32, #tpu.memory_space<hbm>>) dst(%dma_wait3A_261 : memref<16x512xf32, #tpu.memory_space<hbm>>)
        tpu.yield
      }) : () -> ()
    } else {
    }
    %jit3A_107 = arith.constant 16 : i32
    %jit3A_108 = arith.constant 0 : i32
    %select_n3A_109 = arith.select %ge3A_103, %jit3A_107, %jit3A_108 : i32
    %add3A_110 = arith.addi %add3A_100, %select_n3A_109 : i32
    %sub3A_111 = arith.subi %sub3A_101, %select_n3A_109 : i32
    %ge3A_112 = arith.constant 8 : i32
    %ge3A_113 = arith.cmpi sge, %sub3A_111, %ge3A_112 : i32
    %convert_element_type3A_114 = arith.extui %ge3A_113 : i1 to i32
    %cond3A_115 = arith.constant 0 : i32
    %cond3A_116 = arith.cmpi ne, %convert_element_type3A_114, %cond3A_115 : i32
    scf.if %cond3A_116 {
      %add3A_253 = arith.addi %reduce_sum3A_42, %mul3A_32 : i32
      %add3A_254 = arith.addi %add3A_253, %add3A_110 : i32
      %add3A_255 = arith.addi %mul3A_32, %add3A_110 : i32
      "tpu.region"() ({
        %run_scoped3A = tpu.sem_alloc : memref<!tpu.dma_semaphore, #tpu.memory_space<semaphore_mem>>
        %dma_start3A = arith.constant 0 : i32
        %dma_start3A_256 = tpu.memref_slice %arg4[%select_n3A, %add3A_255, %dma_start3A] : memref<16x2048x512xf32, #tpu.memory_space<hbm>> -> memref<1x8x512xf32, #tpu.memory_space<hbm>>
        %dma_start3A_257 = tpu.memref_squeeze %dma_start3A_256 : memref<1x8x512xf32, #tpu.memory_space<hbm>> -> memref<8x512xf32, #tpu.memory_space<hbm>>
        %dma_start3A_258 = arith.constant 0 : i32
        %dma_start3A_259 = tpu.memref_slice %arg2[%add3A_254, %dma_start3A_258] : memref<20312x512xf32, #tpu.memory_space<hbm>> -> memref<8x512xf32, #tpu.memory_space<hbm>>
        tpu.enqueue_dma source(%dma_start3A_259 : memref<8x512xf32, #tpu.memory_space<hbm>>) target(%dma_start3A_257 : memref<8x512xf32, #tpu.memory_space<hbm>>) target_semaphore(%run_scoped3A : memref<!tpu.dma_semaphore, #tpu.memory_space<semaphore_mem>>)
        %dma_wait3A = arith.constant 0 : i32
        %dma_wait3A_260 = tpu.memref_slice %arg4[%select_n3A, %add3A_255, %dma_wait3A] : memref<16x2048x512xf32, #tpu.memory_space<hbm>> -> memref<1x8x512xf32, #tpu.memory_space<hbm>>
        %dma_wait3A_261 = tpu.memref_squeeze %dma_wait3A_260 : memref<1x8x512xf32, #tpu.memory_space<hbm>> -> memref<8x512xf32, #tpu.memory_space<hbm>>
        %dma_wait3A_262 = arith.constant 0 : i32
        %dma_wait3A_263 = tpu.memref_slice %arg2[%add3A_254, %dma_wait3A_262] : memref<20312x512xf32, #tpu.memory_space<hbm>> -> memref<8x512xf32, #tpu.memory_space<hbm>>
        tpu.wait_dma2 semaphore(%run_scoped3A : memref<!tpu.dma_semaphore, #tpu.memory_space<semaphore_mem>>) src(%dma_wait3A_263 : memref<8x512xf32, #tpu.memory_space<hbm>>) dst(%dma_wait3A_261 : memref<8x512xf32, #tpu.memory_space<hbm>>)
        tpu.yield
      }) : () -> ()
    } else {
    }
    %jit3A_117 = arith.constant 8 : i32
    %jit3A_118 = arith.constant 0 : i32
    %select_n3A_119 = arith.select %ge3A_113, %jit3A_117, %jit3A_118 : i32
    %add3A_120 = arith.addi %add3A_110, %select_n3A_119 : i32
    %sub3A_121 = arith.subi %sub3A_111, %select_n3A_119 : i32
    %ge3A_122 = arith.constant 4 : i32
    %ge3A_123 = arith.cmpi sge, %sub3A_121, %ge3A_122 : i32
    %convert_element_type3A_124 = arith.extui %ge3A_123 : i1 to i32
    %cond3A_125 = arith.constant 0 : i32
    %cond3A_126 = arith.cmpi ne, %convert_element_type3A_124, %cond3A_125 : i32
    scf.if %cond3A_126 {
      %add3A_253 = arith.addi %reduce_sum3A_42, %mul3A_32 : i32
      %add3A_254 = arith.addi %add3A_253, %add3A_120 : i32
      %add3A_255 = arith.addi %mul3A_32, %add3A_120 : i32
      "tpu.region"() ({
        %run_scoped3A = tpu.sem_alloc : memref<!tpu.dma_semaphore, #tpu.memory_space<semaphore_mem>>
        %dma_start3A = arith.constant 0 : i32
        %dma_start3A_256 = tpu.memref_slice %arg4[%select_n3A, %add3A_255, %dma_start3A] : memref<16x2048x512xf32, #tpu.memory_space<hbm>> -> memref<1x4x512xf32, #tpu.memory_space<hbm>>
        %dma_start3A_257 = tpu.memref_squeeze %dma_start3A_256 : memref<1x4x512xf32, #tpu.memory_space<hbm>> -> memref<4x512xf32, #tpu.memory_space<hbm>>
        %dma_start3A_258 = arith.constant 0 : i32
        %dma_start3A_259 = tpu.memref_slice %arg2[%add3A_254, %dma_start3A_258] : memref<20312x512xf32, #tpu.memory_space<hbm>> -> memref<4x512xf32, #tpu.memory_space<hbm>>
        tpu.enqueue_dma source(%dma_start3A_259 : memref<4x512xf32, #tpu.memory_space<hbm>>) target(%dma_start3A_257 : memref<4x512xf32, #tpu.memory_space<hbm>>) target_semaphore(%run_scoped3A : memref<!tpu.dma_semaphore, #tpu.memory_space<semaphore_mem>>)
        %dma_wait3A = arith.constant 0 : i32
        %dma_wait3A_260 = tpu.memref_slice %arg4[%select_n3A, %add3A_255, %dma_wait3A] : memref<16x2048x512xf32, #tpu.memory_space<hbm>> -> memref<1x4x512xf32, #tpu.memory_space<hbm>>
        %dma_wait3A_261 = tpu.memref_squeeze %dma_wait3A_260 : memref<1x4x512xf32, #tpu.memory_space<hbm>> -> memref<4x512xf32, #tpu.memory_space<hbm>>
        %dma_wait3A_262 = arith.constant 0 : i32
        %dma_wait3A_263 = tpu.memref_slice %arg2[%add3A_254, %dma_wait3A_262] : memref<20312x512xf32, #tpu.memory_space<hbm>> -> memref<4x512xf32, #tpu.memory_space<hbm>>
        tpu.wait_dma2 semaphore(%run_scoped3A : memref<!tpu.dma_semaphore, #tpu.memory_space<semaphore_mem>>) src(%dma_wait3A_263 : memref<4x512xf32, #tpu.memory_space<hbm>>) dst(%dma_wait3A_261 : memref<4x512xf32, #tpu.memory_space<hbm>>)
        tpu.yield
      }) : () -> ()
    } else {
    }
    %jit3A_127 = arith.constant 4 : i32
    %jit3A_128 = arith.constant 0 : i32
    %select_n3A_129 = arith.select %ge3A_123, %jit3A_127, %jit3A_128 : i32
    %add3A_130 = arith.addi %add3A_120, %select_n3A_129 : i32
    %sub3A_131 = arith.subi %sub3A_121, %select_n3A_129 : i32
    %ge3A_132 = arith.constant 2 : i32
    %ge3A_133 = arith.cmpi sge, %sub3A_131, %ge3A_132 : i32
    %convert_element_type3A_134 = arith.extui %ge3A_133 : i1 to i32
    %cond3A_135 = arith.constant 0 : i32
    %cond3A_136 = arith.cmpi ne, %convert_element_type3A_134, %cond3A_135 : i32
    scf.if %cond3A_136 {
      %add3A_253 = arith.addi %reduce_sum3A_42, %mul3A_32 : i32
      %add3A_254 = arith.addi %add3A_253, %add3A_130 : i32
      %add3A_255 = arith.addi %mul3A_32, %add3A_130 : i32
      "tpu.region"() ({
        %run_scoped3A = tpu.sem_alloc : memref<!tpu.dma_semaphore, #tpu.memory_space<semaphore_mem>>
        %dma_start3A = arith.constant 0 : i32
        %dma_start3A_256 = tpu.memref_slice %arg4[%select_n3A, %add3A_255, %dma_start3A] : memref<16x2048x512xf32, #tpu.memory_space<hbm>> -> memref<1x2x512xf32, #tpu.memory_space<hbm>>
        %dma_start3A_257 = tpu.memref_squeeze %dma_start3A_256 : memref<1x2x512xf32, #tpu.memory_space<hbm>> -> memref<2x512xf32, #tpu.memory_space<hbm>>
        %dma_start3A_258 = arith.constant 0 : i32
        %dma_start3A_259 = tpu.memref_slice %arg2[%add3A_254, %dma_start3A_258] : memref<20312x512xf32, #tpu.memory_space<hbm>> -> memref<2x512xf32, #tpu.memory_space<hbm>>
        tpu.enqueue_dma source(%dma_start3A_259 : memref<2x512xf32, #tpu.memory_space<hbm>>) target(%dma_start3A_257 : memref<2x512xf32, #tpu.memory_space<hbm>>) target_semaphore(%run_scoped3A : memref<!tpu.dma_semaphore, #tpu.memory_space<semaphore_mem>>)
        %dma_wait3A = arith.constant 0 : i32
        %dma_wait3A_260 = tpu.memref_slice %arg4[%select_n3A, %add3A_255, %dma_wait3A] : memref<16x2048x512xf32, #tpu.memory_space<hbm>> -> memref<1x2x512xf32, #tpu.memory_space<hbm>>
        %dma_wait3A_261 = tpu.memref_squeeze %dma_wait3A_260 : memref<1x2x512xf32, #tpu.memory_space<hbm>> -> memref<2x512xf32, #tpu.memory_space<hbm>>
        %dma_wait3A_262 = arith.constant 0 : i32
        %dma_wait3A_263 = tpu.memref_slice %arg2[%add3A_254, %dma_wait3A_262] : memref<20312x512xf32, #tpu.memory_space<hbm>> -> memref<2x512xf32, #tpu.memory_space<hbm>>
        tpu.wait_dma2 semaphore(%run_scoped3A : memref<!tpu.dma_semaphore, #tpu.memory_space<semaphore_mem>>) src(%dma_wait3A_263 : memref<2x512xf32, #tpu.memory_space<hbm>>) dst(%dma_wait3A_261 : memref<2x512xf32, #tpu.memory_space<hbm>>)
        tpu.yield
      }) : () -> ()
    } else {
    }
    %jit3A_137 = arith.constant 2 : i32
    %jit3A_138 = arith.constant 0 : i32
    %select_n3A_139 = arith.select %ge3A_133, %jit3A_137, %jit3A_138 : i32
    %add3A_140 = arith.addi %add3A_130, %select_n3A_139 : i32
    %sub3A_141 = arith.subi %sub3A_131, %select_n3A_139 : i32
    %ge3A_142 = arith.constant 1 : i32
    %ge3A_143 = arith.cmpi sge, %sub3A_141, %ge3A_142 : i32
    %convert_element_type3A_144 = arith.extui %ge3A_143 : i1 to i32
    %cond3A_145 = arith.constant 0 : i32
    %cond3A_146 = arith.cmpi ne, %convert_element_type3A_144, %cond3A_145 : i32
    scf.if %cond3A_146 {
      %add3A_253 = arith.addi %reduce_sum3A_42, %mul3A_32 : i32
      %add3A_254 = arith.addi %add3A_253, %add3A_140 : i32
      %add3A_255 = arith.addi %mul3A_32, %add3A_140 : i32
      "tpu.region"() ({
        %run_scoped3A = tpu.sem_alloc : memref<!tpu.dma_semaphore, #tpu.memory_space<semaphore_mem>>
        %dma_start3A = arith.constant 0 : i32
        %dma_start3A_256 = tpu.memref_slice %arg4[%select_n3A, %add3A_255, %dma_start3A] : memref<16x2048x512xf32, #tpu.memory_space<hbm>> -> memref<1x1x512xf32, #tpu.memory_space<hbm>>
        %dma_start3A_257 = tpu.memref_squeeze %dma_start3A_256 : memref<1x1x512xf32, #tpu.memory_space<hbm>> -> memref<1x512xf32, #tpu.memory_space<hbm>>
        %dma_start3A_258 = arith.constant 0 : i32
        %dma_start3A_259 = tpu.memref_slice %arg2[%add3A_254, %dma_start3A_258] : memref<20312x512xf32, #tpu.memory_space<hbm>> -> memref<1x512xf32, #tpu.memory_space<hbm>>
        tpu.enqueue_dma source(%dma_start3A_259 : memref<1x512xf32, #tpu.memory_space<hbm>>) target(%dma_start3A_257 : memref<1x512xf32, #tpu.memory_space<hbm>>) target_semaphore(%run_scoped3A : memref<!tpu.dma_semaphore, #tpu.memory_space<semaphore_mem>>)
        %dma_wait3A = arith.constant 0 : i32
        %dma_wait3A_260 = tpu.memref_slice %arg4[%select_n3A, %add3A_255, %dma_wait3A] : memref<16x2048x512xf32, #tpu.memory_space<hbm>> -> memref<1x1x512xf32, #tpu.memory_space<hbm>>
        %dma_wait3A_261 = tpu.memref_squeeze %dma_wait3A_260 : memref<1x1x512xf32, #tpu.memory_space<hbm>> -> memref<1x512xf32, #tpu.memory_space<hbm>>
        %dma_wait3A_262 = arith.constant 0 : i32
        %dma_wait3A_263 = tpu.memref_slice %arg2[%add3A_254, %dma_wait3A_262] : memref<20312x512xf32, #tpu.memory_space<hbm>> -> memref<1x512xf32, #tpu.memory_space<hbm>>
        tpu.wait_dma2 semaphore(%run_scoped3A : memref<!tpu.dma_semaphore, #tpu.memory_space<semaphore_mem>>) src(%dma_wait3A_263 : memref<1x512xf32, #tpu.memory_space<hbm>>) dst(%dma_wait3A_261 : memref<1x512xf32, #tpu.memory_space<hbm>>)
        tpu.yield
      }) : () -> ()
    } else {
    }
    %jit3A_147 = arith.constant 1 : i32
    %jit3A_148 = arith.constant 0 : i32
    %select_n3A_149 = arith.select %ge3A_143, %jit3A_147, %jit3A_148 : i32
    %add3A_150 = arith.addi %add3A_140, %select_n3A_149 : i32
    %sub3A_151 = arith.subi %sub3A_141, %select_n3A_149 : i32
    %sub3A_152 = arith.constant 1024 : i32
    %sub3A_153 = arith.subi %sub3A_152, %min3A : i32
    %jit3A_154 = arith.constant 64 : i32
    %div3A_155 = arith.divsi %sub3A_153, %jit3A_154 : i32
    %sign3A_156 = arith.constant 0 : i32
    %sign3A_157 = arith.cmpi sgt, %sub3A_153, %sign3A_156 : i32
    %sign3A_158 = arith.extui %sign3A_157 : i1 to i32
    %sign3A_159 = arith.constant 0 : i32
    %sign3A_160 = arith.cmpi slt, %sub3A_153, %sign3A_159 : i32
    %sign3A_161 = arith.extui %sign3A_160 : i1 to i32
    %sign3A_162 = arith.subi %sign3A_158, %sign3A_161 : i32
    %sign3A_163 = arith.constant 0 : i32
    %sign3A_164 = arith.cmpi sgt, %jit3A_154, %sign3A_163 : i32
    %sign3A_165 = arith.extui %sign3A_164 : i1 to i32
    %sign3A_166 = arith.constant 0 : i32
    %sign3A_167 = arith.cmpi slt, %jit3A_154, %sign3A_166 : i32
    %sign3A_168 = arith.extui %sign3A_167 : i1 to i32
    %sign3A_169 = arith.subi %sign3A_165, %sign3A_168 : i32
    %ne3A_170 = arith.cmpi ne, %sign3A_162, %sign3A_169 : i32
    %rem3A_171 = arith.remsi %sub3A_153, %jit3A_154 : i32
    %ne3A_172 = arith.constant 0 : i32
    %ne3A_173 = arith.cmpi ne, %rem3A_171, %ne3A_172 : i32
    %and3A_174 = arith.andi %ne3A_170, %ne3A_173 : i1
    %sub3A_175 = arith.constant 1 : i32
    %sub3A_176 = arith.subi %div3A_155, %sub3A_175 : i32
    %select_n3A_177 = arith.select %and3A_174, %sub3A_176, %div3A_155 : i32
    %while3A_178 = arith.constant 0 : i32
    %while3A_179 = arith.constant 0 : i32
    %while3A_180 = arith.subi %select_n3A_177, %while3A_179 : i32
    %while3A_181 = arith.addi %while3A_179, %while3A_180 : i32
    %while3A_182 = arith.constant 1 : i32
    %while3A_183 = arith.divsi %while3A_180, %while3A_182 : i32
    %while3A_184 = arith.muli %while3A_183, %while3A_182 : i32
    %while3A_185 = arith.addi %while3A_179, %while3A_184 : i32
    %while3A_186 = arith.constant 1 : i32
    scf.for %while3A_253 = %while3A_179 to %while3A_185 step %while3A_186  : i32 {
      %add3A_254 = arith.addi %mul3A_32, %min3A : i32
      %mul3A_255 = arith.constant 64 : i32
      %mul3A_256 = arith.muli %while3A_253, %mul3A_255 : i32
      %add3A_257 = arith.addi %add3A_254, %mul3A_256 : i32
      "tpu.region"() ({
        %run_scoped3A = tpu.sem_alloc : memref<!tpu.dma_semaphore, #tpu.memory_space<semaphore_mem>>
        %dma_start3A = arith.constant 0 : i32
        %dma_start3A_258 = tpu.memref_slice %arg4[%select_n3A, %add3A_257, %dma_start3A] : memref<16x2048x512xf32, #tpu.memory_space<hbm>> -> memref<1x64x512xf32, #tpu.memory_space<hbm>>
        %dma_start3A_259 = tpu.memref_squeeze %dma_start3A_258 : memref<1x64x512xf32, #tpu.memory_space<hbm>> -> memref<64x512xf32, #tpu.memory_space<hbm>>
        %dma_start3A_260 = arith.constant 0 : i32
        %dma_start3A_261 = tpu.memref_slice %arg4[%select_n3A, %add3A_257, %dma_start3A_260] : memref<16x2048x512xf32, #tpu.memory_space<hbm>> -> memref<1x64x512xf32, #tpu.memory_space<hbm>>
        %dma_start3A_262 = tpu.memref_squeeze %dma_start3A_261 : memref<1x64x512xf32, #tpu.memory_space<hbm>> -> memref<64x512xf32, #tpu.memory_space<hbm>>
        tpu.enqueue_dma source(%arg6 : memref<64x512xf32, #tpu.memory_space<vmem>>) target(%dma_start3A_262 : memref<64x512xf32, #tpu.memory_space<hbm>>) target_semaphore(%run_scoped3A : memref<!tpu.dma_semaphore, #tpu.memory_space<semaphore_mem>>)
        %dma_wait3A = arith.constant 0 : i32
        %dma_wait3A_263 = tpu.memref_slice %arg4[%select_n3A, %add3A_257, %dma_wait3A] : memref<16x2048x512xf32, #tpu.memory_space<hbm>> -> memref<1x64x512xf32, #tpu.memory_space<hbm>>
        %dma_wait3A_264 = tpu.memref_squeeze %dma_wait3A_263 : memref<1x64x512xf32, #tpu.memory_space<hbm>> -> memref<64x512xf32, #tpu.memory_space<hbm>>
        %dma_wait3A_265 = arith.constant 0 : i32
        %dma_wait3A_266 = tpu.memref_slice %arg4[%select_n3A, %add3A_257, %dma_wait3A_265] : memref<16x2048x512xf32, #tpu.memory_space<hbm>> -> memref<1x64x512xf32, #tpu.memory_space<hbm>>
        %dma_wait3A_267 = tpu.memref_squeeze %dma_wait3A_266 : memref<1x64x512xf32, #tpu.memory_space<hbm>> -> memref<64x512xf32, #tpu.memory_space<hbm>>
        tpu.wait_dma2 semaphore(%run_scoped3A : memref<!tpu.dma_semaphore, #tpu.memory_space<semaphore_mem>>) src(%arg6 : memref<64x512xf32, #tpu.memory_space<vmem>>) dst(%dma_wait3A_267 : memref<64x512xf32, #tpu.memory_space<hbm>>)
        tpu.yield
      }) : () -> ()
    }
    %while3A_187 = arith.constant 1 : i32
    scf.for %while3A_253 = %while3A_185 to %while3A_181 step %while3A_187  : i32 {
      %add3A_254 = arith.addi %mul3A_32, %min3A : i32
      %mul3A_255 = arith.constant 64 : i32
      %mul3A_256 = arith.muli %while3A_253, %mul3A_255 : i32
      %add3A_257 = arith.addi %add3A_254, %mul3A_256 : i32
      "tpu.region"() ({
        %run_scoped3A = tpu.sem_alloc : memref<!tpu.dma_semaphore, #tpu.memory_space<semaphore_mem>>
        %dma_start3A = arith.constant 0 : i32
        %dma_start3A_258 = tpu.memref_slice %arg4[%select_n3A, %add3A_257, %dma_start3A] : memref<16x2048x512xf32, #tpu.memory_space<hbm>> -> memref<1x64x512xf32, #tpu.memory_space<hbm>>
        %dma_start3A_259 = tpu.memref_squeeze %dma_start3A_258 : memref<1x64x512xf32, #tpu.memory_space<hbm>> -> memref<64x512xf32, #tpu.memory_space<hbm>>
        %dma_start3A_260 = arith.constant 0 : i32
        %dma_start3A_261 = tpu.memref_slice %arg4[%select_n3A, %add3A_257, %dma_start3A_260] : memref<16x2048x512xf32, #tpu.memory_space<hbm>> -> memref<1x64x512xf32, #tpu.memory_space<hbm>>
        %dma_start3A_262 = tpu.memref_squeeze %dma_start3A_261 : memref<1x64x512xf32, #tpu.memory_space<hbm>> -> memref<64x512xf32, #tpu.memory_space<hbm>>
        tpu.enqueue_dma source(%arg6 : memref<64x512xf32, #tpu.memory_space<vmem>>) target(%dma_start3A_262 : memref<64x512xf32, #tpu.memory_space<hbm>>) target_semaphore(%run_scoped3A : memref<!tpu.dma_semaphore, #tpu.memory_space<semaphore_mem>>)
        %dma_wait3A = arith.constant 0 : i32
        %dma_wait3A_263 = tpu.memref_slice %arg4[%select_n3A, %add3A_257, %dma_wait3A] : memref<16x2048x512xf32, #tpu.memory_space<hbm>> -> memref<1x64x512xf32, #tpu.memory_space<hbm>>
        %dma_wait3A_264 = tpu.memref_squeeze %dma_wait3A_263 : memref<1x64x512xf32, #tpu.memory_space<hbm>> -> memref<64x512xf32, #tpu.memory_space<hbm>>
        %dma_wait3A_265 = arith.constant 0 : i32
        %dma_wait3A_266 = tpu.memref_slice %arg4[%select_n3A, %add3A_257, %dma_wait3A_265] : memref<16x2048x512xf32, #tpu.memory_space<hbm>> -> memref<1x64x512xf32, #tpu.memory_space<hbm>>
        %dma_wait3A_267 = tpu.memref_squeeze %dma_wait3A_266 : memref<1x64x512xf32, #tpu.memory_space<hbm>> -> memref<64x512xf32, #tpu.memory_space<hbm>>
        tpu.wait_dma2 semaphore(%run_scoped3A : memref<!tpu.dma_semaphore, #tpu.memory_space<semaphore_mem>>) src(%arg6 : memref<64x512xf32, #tpu.memory_space<vmem>>) dst(%dma_wait3A_267 : memref<64x512xf32, #tpu.memory_space<hbm>>)
        tpu.yield
      }) : () -> ()
    }
    %mul3A_188 = arith.constant 64 : i32
    %mul3A_189 = arith.muli %select_n3A_177, %mul3A_188 : i32
    %add3A_190 = arith.addi %min3A, %mul3A_189 : i32
    %sub3A_191 = arith.constant 1024 : i32
    %sub3A_192 = arith.subi %sub3A_191, %add3A_190 : i32
    %ge3A_193 = arith.constant 32 : i32
    %ge3A_194 = arith.cmpi sge, %sub3A_192, %ge3A_193 : i32
    %convert_element_type3A_195 = arith.extui %ge3A_194 : i1 to i32
    %cond3A_196 = arith.constant 0 : i32
    %cond3A_197 = arith.cmpi ne, %convert_element_type3A_195, %cond3A_196 : i32
    scf.if %cond3A_197 {
      %add3A_253 = arith.addi %mul3A_32, %add3A_190 : i32
      "tpu.region"() ({
        %run_scoped3A = tpu.sem_alloc : memref<!tpu.dma_semaphore, #tpu.memory_space<semaphore_mem>>
        %dma_start3A = arith.constant 0 : i32
        %dma_start3A_254 = arith.constant 0 : i32
        %dma_start3A_255 = tpu.memref_slice %arg6[%dma_start3A, %dma_start3A_254] : memref<64x512xf32, #tpu.memory_space<vmem>> -> memref<32x512xf32, #tpu.memory_space<vmem>>
        %dma_start3A_256 = arith.constant 0 : i32
        %dma_start3A_257 = tpu.memref_slice %arg4[%select_n3A, %add3A_253, %dma_start3A_256] : memref<16x2048x512xf32, #tpu.memory_space<hbm>> -> memref<1x32x512xf32, #tpu.memory_space<hbm>>
        %dma_start3A_258 = tpu.memref_squeeze %dma_start3A_257 : memref<1x32x512xf32, #tpu.memory_space<hbm>> -> memref<32x512xf32, #tpu.memory_space<hbm>>
        %dma_start3A_259 = arith.constant 0 : i32
        %dma_start3A_260 = tpu.memref_slice %arg4[%select_n3A, %add3A_253, %dma_start3A_259] : memref<16x2048x512xf32, #tpu.memory_space<hbm>> -> memref<1x32x512xf32, #tpu.memory_space<hbm>>
        %dma_start3A_261 = tpu.memref_squeeze %dma_start3A_260 : memref<1x32x512xf32, #tpu.memory_space<hbm>> -> memref<32x512xf32, #tpu.memory_space<hbm>>
        %dma_start3A_262 = arith.constant 0 : i32
        %dma_start3A_263 = arith.constant 0 : i32
        %dma_start3A_264 = tpu.memref_slice %arg6[%dma_start3A_262, %dma_start3A_263] : memref<64x512xf32, #tpu.memory_space<vmem>> -> memref<32x512xf32, #tpu.memory_space<vmem>>
        tpu.enqueue_dma source(%dma_start3A_264 : memref<32x512xf32, #tpu.memory_space<vmem>>) target(%dma_start3A_261 : memref<32x512xf32, #tpu.memory_space<hbm>>) target_semaphore(%run_scoped3A : memref<!tpu.dma_semaphore, #tpu.memory_space<semaphore_mem>>)
        %dma_wait3A = arith.constant 0 : i32
        %dma_wait3A_265 = arith.constant 0 : i32
        %dma_wait3A_266 = tpu.memref_slice %arg6[%dma_wait3A, %dma_wait3A_265] : memref<64x512xf32, #tpu.memory_space<vmem>> -> memref<32x512xf32, #tpu.memory_space<vmem>>
        %dma_wait3A_267 = arith.constant 0 : i32
        %dma_wait3A_268 = tpu.memref_slice %arg4[%select_n3A, %add3A_253, %dma_wait3A_267] : memref<16x2048x512xf32, #tpu.memory_space<hbm>> -> memref<1x32x512xf32, #tpu.memory_space<hbm>>
        %dma_wait3A_269 = tpu.memref_squeeze %dma_wait3A_268 : memref<1x32x512xf32, #tpu.memory_space<hbm>> -> memref<32x512xf32, #tpu.memory_space<hbm>>
        %dma_wait3A_270 = arith.constant 0 : i32
        %dma_wait3A_271 = tpu.memref_slice %arg4[%select_n3A, %add3A_253, %dma_wait3A_270] : memref<16x2048x512xf32, #tpu.memory_space<hbm>> -> memref<1x32x512xf32, #tpu.memory_space<hbm>>
        %dma_wait3A_272 = tpu.memref_squeeze %dma_wait3A_271 : memref<1x32x512xf32, #tpu.memory_space<hbm>> -> memref<32x512xf32, #tpu.memory_space<hbm>>
        %dma_wait3A_273 = arith.constant 0 : i32
        %dma_wait3A_274 = arith.constant 0 : i32
        %dma_wait3A_275 = tpu.memref_slice %arg6[%dma_wait3A_273, %dma_wait3A_274] : memref<64x512xf32, #tpu.memory_space<vmem>> -> memref<32x512xf32, #tpu.memory_space<vmem>>
        tpu.wait_dma2 semaphore(%run_scoped3A : memref<!tpu.dma_semaphore, #tpu.memory_space<semaphore_mem>>) src(%dma_wait3A_275 : memref<32x512xf32, #tpu.memory_space<vmem>>) dst(%dma_wait3A_272 : memref<32x512xf32, #tpu.memory_space<hbm>>)
        tpu.yield
      }) : () -> ()
    } else {
    }
    %jit3A_198 = arith.constant 32 : i32
    %jit3A_199 = arith.constant 0 : i32
    %select_n3A_200 = arith.select %ge3A_194, %jit3A_198, %jit3A_199 : i32
    %add3A_201 = arith.addi %add3A_190, %select_n3A_200 : i32
    %sub3A_202 = arith.subi %sub3A_192, %select_n3A_200 : i32
    %ge3A_203 = arith.constant 16 : i32
    %ge3A_204 = arith.cmpi sge, %sub3A_202, %ge3A_203 : i32
    %convert_element_type3A_205 = arith.extui %ge3A_204 : i1 to i32
    %cond3A_206 = arith.constant 0 : i32
    %cond3A_207 = arith.cmpi ne, %convert_element_type3A_205, %cond3A_206 : i32
    scf.if %cond3A_207 {
      %add3A_253 = arith.addi %mul3A_32, %add3A_201 : i32
      "tpu.region"() ({
        %run_scoped3A = tpu.sem_alloc : memref<!tpu.dma_semaphore, #tpu.memory_space<semaphore_mem>>
        %dma_start3A = arith.constant 0 : i32
        %dma_start3A_254 = arith.constant 0 : i32
        %dma_start3A_255 = tpu.memref_slice %arg6[%dma_start3A, %dma_start3A_254] : memref<64x512xf32, #tpu.memory_space<vmem>> -> memref<16x512xf32, #tpu.memory_space<vmem>>
        %dma_start3A_256 = arith.constant 0 : i32
        %dma_start3A_257 = tpu.memref_slice %arg4[%select_n3A, %add3A_253, %dma_start3A_256] : memref<16x2048x512xf32, #tpu.memory_space<hbm>> -> memref<1x16x512xf32, #tpu.memory_space<hbm>>
        %dma_start3A_258 = tpu.memref_squeeze %dma_start3A_257 : memref<1x16x512xf32, #tpu.memory_space<hbm>> -> memref<16x512xf32, #tpu.memory_space<hbm>>
        %dma_start3A_259 = arith.constant 0 : i32
        %dma_start3A_260 = tpu.memref_slice %arg4[%select_n3A, %add3A_253, %dma_start3A_259] : memref<16x2048x512xf32, #tpu.memory_space<hbm>> -> memref<1x16x512xf32, #tpu.memory_space<hbm>>
        %dma_start3A_261 = tpu.memref_squeeze %dma_start3A_260 : memref<1x16x512xf32, #tpu.memory_space<hbm>> -> memref<16x512xf32, #tpu.memory_space<hbm>>
        %dma_start3A_262 = arith.constant 0 : i32
        %dma_start3A_263 = arith.constant 0 : i32
        %dma_start3A_264 = tpu.memref_slice %arg6[%dma_start3A_262, %dma_start3A_263] : memref<64x512xf32, #tpu.memory_space<vmem>> -> memref<16x512xf32, #tpu.memory_space<vmem>>
        tpu.enqueue_dma source(%dma_start3A_264 : memref<16x512xf32, #tpu.memory_space<vmem>>) target(%dma_start3A_261 : memref<16x512xf32, #tpu.memory_space<hbm>>) target_semaphore(%run_scoped3A : memref<!tpu.dma_semaphore, #tpu.memory_space<semaphore_mem>>)
        %dma_wait3A = arith.constant 0 : i32
        %dma_wait3A_265 = arith.constant 0 : i32
        %dma_wait3A_266 = tpu.memref_slice %arg6[%dma_wait3A, %dma_wait3A_265] : memref<64x512xf32, #tpu.memory_space<vmem>> -> memref<16x512xf32, #tpu.memory_space<vmem>>
        %dma_wait3A_267 = arith.constant 0 : i32
        %dma_wait3A_268 = tpu.memref_slice %arg4[%select_n3A, %add3A_253, %dma_wait3A_267] : memref<16x2048x512xf32, #tpu.memory_space<hbm>> -> memref<1x16x512xf32, #tpu.memory_space<hbm>>
        %dma_wait3A_269 = tpu.memref_squeeze %dma_wait3A_268 : memref<1x16x512xf32, #tpu.memory_space<hbm>> -> memref<16x512xf32, #tpu.memory_space<hbm>>
        %dma_wait3A_270 = arith.constant 0 : i32
        %dma_wait3A_271 = tpu.memref_slice %arg4[%select_n3A, %add3A_253, %dma_wait3A_270] : memref<16x2048x512xf32, #tpu.memory_space<hbm>> -> memref<1x16x512xf32, #tpu.memory_space<hbm>>
        %dma_wait3A_272 = tpu.memref_squeeze %dma_wait3A_271 : memref<1x16x512xf32, #tpu.memory_space<hbm>> -> memref<16x512xf32, #tpu.memory_space<hbm>>
        %dma_wait3A_273 = arith.constant 0 : i32
        %dma_wait3A_274 = arith.constant 0 : i32
        %dma_wait3A_275 = tpu.memref_slice %arg6[%dma_wait3A_273, %dma_wait3A_274] : memref<64x512xf32, #tpu.memory_space<vmem>> -> memref<16x512xf32, #tpu.memory_space<vmem>>
        tpu.wait_dma2 semaphore(%run_scoped3A : memref<!tpu.dma_semaphore, #tpu.memory_space<semaphore_mem>>) src(%dma_wait3A_275 : memref<16x512xf32, #tpu.memory_space<vmem>>) dst(%dma_wait3A_272 : memref<16x512xf32, #tpu.memory_space<hbm>>)
        tpu.yield
      }) : () -> ()
    } else {
    }
    %jit3A_208 = arith.constant 16 : i32
    %jit3A_209 = arith.constant 0 : i32
    %select_n3A_210 = arith.select %ge3A_204, %jit3A_208, %jit3A_209 : i32
    %add3A_211 = arith.addi %add3A_201, %select_n3A_210 : i32
    %sub3A_212 = arith.subi %sub3A_202, %select_n3A_210 : i32
    %ge3A_213 = arith.constant 8 : i32
    %ge3A_214 = arith.cmpi sge, %sub3A_212, %ge3A_213 : i32
    %convert_element_type3A_215 = arith.extui %ge3A_214 : i1 to i32
    %cond3A_216 = arith.constant 0 : i32
    %cond3A_217 = arith.cmpi ne, %convert_element_type3A_215, %cond3A_216 : i32
    scf.if %cond3A_217 {
      %add3A_253 = arith.addi %mul3A_32, %add3A_211 : i32
      "tpu.region"() ({
        %run_scoped3A = tpu.sem_alloc : memref<!tpu.dma_semaphore, #tpu.memory_space<semaphore_mem>>
        %dma_start3A = arith.constant 0 : i32
        %dma_start3A_254 = arith.constant 0 : i32
        %dma_start3A_255 = tpu.memref_slice %arg6[%dma_start3A, %dma_start3A_254] : memref<64x512xf32, #tpu.memory_space<vmem>> -> memref<8x512xf32, #tpu.memory_space<vmem>>
        %dma_start3A_256 = arith.constant 0 : i32
        %dma_start3A_257 = tpu.memref_slice %arg4[%select_n3A, %add3A_253, %dma_start3A_256] : memref<16x2048x512xf32, #tpu.memory_space<hbm>> -> memref<1x8x512xf32, #tpu.memory_space<hbm>>
        %dma_start3A_258 = tpu.memref_squeeze %dma_start3A_257 : memref<1x8x512xf32, #tpu.memory_space<hbm>> -> memref<8x512xf32, #tpu.memory_space<hbm>>
        %dma_start3A_259 = arith.constant 0 : i32
        %dma_start3A_260 = tpu.memref_slice %arg4[%select_n3A, %add3A_253, %dma_start3A_259] : memref<16x2048x512xf32, #tpu.memory_space<hbm>> -> memref<1x8x512xf32, #tpu.memory_space<hbm>>
        %dma_start3A_261 = tpu.memref_squeeze %dma_start3A_260 : memref<1x8x512xf32, #tpu.memory_space<hbm>> -> memref<8x512xf32, #tpu.memory_space<hbm>>
        %dma_start3A_262 = arith.constant 0 : i32
        %dma_start3A_263 = arith.constant 0 : i32
        %dma_start3A_264 = tpu.memref_slice %arg6[%dma_start3A_262, %dma_start3A_263] : memref<64x512xf32, #tpu.memory_space<vmem>> -> memref<8x512xf32, #tpu.memory_space<vmem>>
        tpu.enqueue_dma source(%dma_start3A_264 : memref<8x512xf32, #tpu.memory_space<vmem>>) target(%dma_start3A_261 : memref<8x512xf32, #tpu.memory_space<hbm>>) target_semaphore(%run_scoped3A : memref<!tpu.dma_semaphore, #tpu.memory_space<semaphore_mem>>)
        %dma_wait3A = arith.constant 0 : i32
        %dma_wait3A_265 = arith.constant 0 : i32
        %dma_wait3A_266 = tpu.memref_slice %arg6[%dma_wait3A, %dma_wait3A_265] : memref<64x512xf32, #tpu.memory_space<vmem>> -> memref<8x512xf32, #tpu.memory_space<vmem>>
        %dma_wait3A_267 = arith.constant 0 : i32
        %dma_wait3A_268 = tpu.memref_slice %arg4[%select_n3A, %add3A_253, %dma_wait3A_267] : memref<16x2048x512xf32, #tpu.memory_space<hbm>> -> memref<1x8x512xf32, #tpu.memory_space<hbm>>
        %dma_wait3A_269 = tpu.memref_squeeze %dma_wait3A_268 : memref<1x8x512xf32, #tpu.memory_space<hbm>> -> memref<8x512xf32, #tpu.memory_space<hbm>>
        %dma_wait3A_270 = arith.constant 0 : i32
        %dma_wait3A_271 = tpu.memref_slice %arg4[%select_n3A, %add3A_253, %dma_wait3A_270] : memref<16x2048x512xf32, #tpu.memory_space<hbm>> -> memref<1x8x512xf32, #tpu.memory_space<hbm>>
        %dma_wait3A_272 = tpu.memref_squeeze %dma_wait3A_271 : memref<1x8x512xf32, #tpu.memory_space<hbm>> -> memref<8x512xf32, #tpu.memory_space<hbm>>
        %dma_wait3A_273 = arith.constant 0 : i32
        %dma_wait3A_274 = arith.constant 0 : i32
        %dma_wait3A_275 = tpu.memref_slice %arg6[%dma_wait3A_273, %dma_wait3A_274] : memref<64x512xf32, #tpu.memory_space<vmem>> -> memref<8x512xf32, #tpu.memory_space<vmem>>
        tpu.wait_dma2 semaphore(%run_scoped3A : memref<!tpu.dma_semaphore, #tpu.memory_space<semaphore_mem>>) src(%dma_wait3A_275 : memref<8x512xf32, #tpu.memory_space<vmem>>) dst(%dma_wait3A_272 : memref<8x512xf32, #tpu.memory_space<hbm>>)
        tpu.yield
      }) : () -> ()
    } else {
    }
    %jit3A_218 = arith.constant 8 : i32
    %jit3A_219 = arith.constant 0 : i32
    %select_n3A_220 = arith.select %ge3A_214, %jit3A_218, %jit3A_219 : i32
    %add3A_221 = arith.addi %add3A_211, %select_n3A_220 : i32
    %sub3A_222 = arith.subi %sub3A_212, %select_n3A_220 : i32
    %ge3A_223 = arith.constant 4 : i32
    %ge3A_224 = arith.cmpi sge, %sub3A_222, %ge3A_223 : i32
    %convert_element_type3A_225 = arith.extui %ge3A_224 : i1 to i32
    %cond3A_226 = arith.constant 0 : i32
    %cond3A_227 = arith.cmpi ne, %convert_element_type3A_225, %cond3A_226 : i32
    scf.if %cond3A_227 {
      %add3A_253 = arith.addi %mul3A_32, %add3A_221 : i32
      "tpu.region"() ({
        %run_scoped3A = tpu.sem_alloc : memref<!tpu.dma_semaphore, #tpu.memory_space<semaphore_mem>>
        %dma_start3A = arith.constant 0 : i32
        %dma_start3A_254 = arith.constant 0 : i32
        %dma_start3A_255 = tpu.memref_slice %arg6[%dma_start3A, %dma_start3A_254] : memref<64x512xf32, #tpu.memory_space<vmem>> -> memref<4x512xf32, #tpu.memory_space<vmem>>
        %dma_start3A_256 = arith.constant 0 : i32
        %dma_start3A_257 = tpu.memref_slice %arg4[%select_n3A, %add3A_253, %dma_start3A_256] : memref<16x2048x512xf32, #tpu.memory_space<hbm>> -> memref<1x4x512xf32, #tpu.memory_space<hbm>>
        %dma_start3A_258 = tpu.memref_squeeze %dma_start3A_257 : memref<1x4x512xf32, #tpu.memory_space<hbm>> -> memref<4x512xf32, #tpu.memory_space<hbm>>
        %dma_start3A_259 = arith.constant 0 : i32
        %dma_start3A_260 = tpu.memref_slice %arg4[%select_n3A, %add3A_253, %dma_start3A_259] : memref<16x2048x512xf32, #tpu.memory_space<hbm>> -> memref<1x4x512xf32, #tpu.memory_space<hbm>>
        %dma_start3A_261 = tpu.memref_squeeze %dma_start3A_260 : memref<1x4x512xf32, #tpu.memory_space<hbm>> -> memref<4x512xf32, #tpu.memory_space<hbm>>
        %dma_start3A_262 = arith.constant 0 : i32
        %dma_start3A_263 = arith.constant 0 : i32
        %dma_start3A_264 = tpu.memref_slice %arg6[%dma_start3A_262, %dma_start3A_263] : memref<64x512xf32, #tpu.memory_space<vmem>> -> memref<4x512xf32, #tpu.memory_space<vmem>>
        tpu.enqueue_dma source(%dma_start3A_264 : memref<4x512xf32, #tpu.memory_space<vmem>>) target(%dma_start3A_261 : memref<4x512xf32, #tpu.memory_space<hbm>>) target_semaphore(%run_scoped3A : memref<!tpu.dma_semaphore, #tpu.memory_space<semaphore_mem>>)
        %dma_wait3A = arith.constant 0 : i32
        %dma_wait3A_265 = arith.constant 0 : i32
        %dma_wait3A_266 = tpu.memref_slice %arg6[%dma_wait3A, %dma_wait3A_265] : memref<64x512xf32, #tpu.memory_space<vmem>> -> memref<4x512xf32, #tpu.memory_space<vmem>>
        %dma_wait3A_267 = arith.constant 0 : i32
        %dma_wait3A_268 = tpu.memref_slice %arg4[%select_n3A, %add3A_253, %dma_wait3A_267] : memref<16x2048x512xf32, #tpu.memory_space<hbm>> -> memref<1x4x512xf32, #tpu.memory_space<hbm>>
        %dma_wait3A_269 = tpu.memref_squeeze %dma_wait3A_268 : memref<1x4x512xf32, #tpu.memory_space<hbm>> -> memref<4x512xf32, #tpu.memory_space<hbm>>
        %dma_wait3A_270 = arith.constant 0 : i32
        %dma_wait3A_271 = tpu.memref_slice %arg4[%select_n3A, %add3A_253, %dma_wait3A_270] : memref<16x2048x512xf32, #tpu.memory_space<hbm>> -> memref<1x4x512xf32, #tpu.memory_space<hbm>>
        %dma_wait3A_272 = tpu.memref_squeeze %dma_wait3A_271 : memref<1x4x512xf32, #tpu.memory_space<hbm>> -> memref<4x512xf32, #tpu.memory_space<hbm>>
        %dma_wait3A_273 = arith.constant 0 : i32
        %dma_wait3A_274 = arith.constant 0 : i32
        %dma_wait3A_275 = tpu.memref_slice %arg6[%dma_wait3A_273, %dma_wait3A_274] : memref<64x512xf32, #tpu.memory_space<vmem>> -> memref<4x512xf32, #tpu.memory_space<vmem>>
        tpu.wait_dma2 semaphore(%run_scoped3A : memref<!tpu.dma_semaphore, #tpu.memory_space<semaphore_mem>>) src(%dma_wait3A_275 : memref<4x512xf32, #tpu.memory_space<vmem>>) dst(%dma_wait3A_272 : memref<4x512xf32, #tpu.memory_space<hbm>>)
        tpu.yield
      }) : () -> ()
    } else {
    }
    %jit3A_228 = arith.constant 4 : i32
    %jit3A_229 = arith.constant 0 : i32
    %select_n3A_230 = arith.select %ge3A_224, %jit3A_228, %jit3A_229 : i32
    %add3A_231 = arith.addi %add3A_221, %select_n3A_230 : i32
    %sub3A_232 = arith.subi %sub3A_222, %select_n3A_230 : i32
    %ge3A_233 = arith.constant 2 : i32
    %ge3A_234 = arith.cmpi sge, %sub3A_232, %ge3A_233 : i32
    %convert_element_type3A_235 = arith.extui %ge3A_234 : i1 to i32
    %cond3A_236 = arith.constant 0 : i32
    %cond3A_237 = arith.cmpi ne, %convert_element_type3A_235, %cond3A_236 : i32
    scf.if %cond3A_237 {
      %add3A_253 = arith.addi %mul3A_32, %add3A_231 : i32
      "tpu.region"() ({
        %run_scoped3A = tpu.sem_alloc : memref<!tpu.dma_semaphore, #tpu.memory_space<semaphore_mem>>
        %dma_start3A = arith.constant 0 : i32
        %dma_start3A_254 = arith.constant 0 : i32
        %dma_start3A_255 = tpu.memref_slice %arg6[%dma_start3A, %dma_start3A_254] : memref<64x512xf32, #tpu.memory_space<vmem>> -> memref<2x512xf32, #tpu.memory_space<vmem>>
        %dma_start3A_256 = arith.constant 0 : i32
        %dma_start3A_257 = tpu.memref_slice %arg4[%select_n3A, %add3A_253, %dma_start3A_256] : memref<16x2048x512xf32, #tpu.memory_space<hbm>> -> memref<1x2x512xf32, #tpu.memory_space<hbm>>
        %dma_start3A_258 = tpu.memref_squeeze %dma_start3A_257 : memref<1x2x512xf32, #tpu.memory_space<hbm>> -> memref<2x512xf32, #tpu.memory_space<hbm>>
        %dma_start3A_259 = arith.constant 0 : i32
        %dma_start3A_260 = tpu.memref_slice %arg4[%select_n3A, %add3A_253, %dma_start3A_259] : memref<16x2048x512xf32, #tpu.memory_space<hbm>> -> memref<1x2x512xf32, #tpu.memory_space<hbm>>
        %dma_start3A_261 = tpu.memref_squeeze %dma_start3A_260 : memref<1x2x512xf32, #tpu.memory_space<hbm>> -> memref<2x512xf32, #tpu.memory_space<hbm>>
        %dma_start3A_262 = arith.constant 0 : i32
        %dma_start3A_263 = arith.constant 0 : i32
        %dma_start3A_264 = tpu.memref_slice %arg6[%dma_start3A_262, %dma_start3A_263] : memref<64x512xf32, #tpu.memory_space<vmem>> -> memref<2x512xf32, #tpu.memory_space<vmem>>
        tpu.enqueue_dma source(%dma_start3A_264 : memref<2x512xf32, #tpu.memory_space<vmem>>) target(%dma_start3A_261 : memref<2x512xf32, #tpu.memory_space<hbm>>) target_semaphore(%run_scoped3A : memref<!tpu.dma_semaphore, #tpu.memory_space<semaphore_mem>>)
        %dma_wait3A = arith.constant 0 : i32
        %dma_wait3A_265 = arith.constant 0 : i32
        %dma_wait3A_266 = tpu.memref_slice %arg6[%dma_wait3A, %dma_wait3A_265] : memref<64x512xf32, #tpu.memory_space<vmem>> -> memref<2x512xf32, #tpu.memory_space<vmem>>
        %dma_wait3A_267 = arith.constant 0 : i32
        %dma_wait3A_268 = tpu.memref_slice %arg4[%select_n3A, %add3A_253, %dma_wait3A_267] : memref<16x2048x512xf32, #tpu.memory_space<hbm>> -> memref<1x2x512xf32, #tpu.memory_space<hbm>>
        %dma_wait3A_269 = tpu.memref_squeeze %dma_wait3A_268 : memref<1x2x512xf32, #tpu.memory_space<hbm>> -> memref<2x512xf32, #tpu.memory_space<hbm>>
        %dma_wait3A_270 = arith.constant 0 : i32
        %dma_wait3A_271 = tpu.memref_slice %arg4[%select_n3A, %add3A_253, %dma_wait3A_270] : memref<16x2048x512xf32, #tpu.memory_space<hbm>> -> memref<1x2x512xf32, #tpu.memory_space<hbm>>
        %dma_wait3A_272 = tpu.memref_squeeze %dma_wait3A_271 : memref<1x2x512xf32, #tpu.memory_space<hbm>> -> memref<2x512xf32, #tpu.memory_space<hbm>>
        %dma_wait3A_273 = arith.constant 0 : i32
        %dma_wait3A_274 = arith.constant 0 : i32
        %dma_wait3A_275 = tpu.memref_slice %arg6[%dma_wait3A_273, %dma_wait3A_274] : memref<64x512xf32, #tpu.memory_space<vmem>> -> memref<2x512xf32, #tpu.memory_space<vmem>>
        tpu.wait_dma2 semaphore(%run_scoped3A : memref<!tpu.dma_semaphore, #tpu.memory_space<semaphore_mem>>) src(%dma_wait3A_275 : memref<2x512xf32, #tpu.memory_space<vmem>>) dst(%dma_wait3A_272 : memref<2x512xf32, #tpu.memory_space<hbm>>)
        tpu.yield
      }) : () -> ()
    } else {
    }
    %jit3A_238 = arith.constant 2 : i32
    %jit3A_239 = arith.constant 0 : i32
    %select_n3A_240 = arith.select %ge3A_234, %jit3A_238, %jit3A_239 : i32
    %add3A_241 = arith.addi %add3A_231, %select_n3A_240 : i32
    %sub3A_242 = arith.subi %sub3A_232, %select_n3A_240 : i32
    %ge3A_243 = arith.constant 1 : i32
    %ge3A_244 = arith.cmpi sge, %sub3A_242, %ge3A_243 : i32
    %convert_element_type3A_245 = arith.extui %ge3A_244 : i1 to i32
    %cond3A_246 = arith.constant 0 : i32
    %cond3A_247 = arith.cmpi ne, %convert_element_type3A_245, %cond3A_246 : i32
    scf.if %cond3A_247 {
      %add3A_253 = arith.addi %mul3A_32, %add3A_241 : i32
      "tpu.region"() ({
        %run_scoped3A = tpu.sem_alloc : memref<!tpu.dma_semaphore, #tpu.memory_space<semaphore_mem>>
        %dma_start3A = arith.constant 0 : i32
        %dma_start3A_254 = arith.constant 0 : i32
        %dma_start3A_255 = tpu.memref_slice %arg6[%dma_start3A, %dma_start3A_254] : memref<64x512xf32, #tpu.memory_space<vmem>> -> memref<1x512xf32, #tpu.memory_space<vmem>>
        %dma_start3A_256 = arith.constant 0 : i32
        %dma_start3A_257 = tpu.memref_slice %arg4[%select_n3A, %add3A_253, %dma_start3A_256] : memref<16x2048x512xf32, #tpu.memory_space<hbm>> -> memref<1x1x512xf32, #tpu.memory_space<hbm>>
        %dma_start3A_258 = tpu.memref_squeeze %dma_start3A_257 : memref<1x1x512xf32, #tpu.memory_space<hbm>> -> memref<1x512xf32, #tpu.memory_space<hbm>>
        %dma_start3A_259 = arith.constant 0 : i32
        %dma_start3A_260 = tpu.memref_slice %arg4[%select_n3A, %add3A_253, %dma_start3A_259] : memref<16x2048x512xf32, #tpu.memory_space<hbm>> -> memref<1x1x512xf32, #tpu.memory_space<hbm>>
        %dma_start3A_261 = tpu.memref_squeeze %dma_start3A_260 : memref<1x1x512xf32, #tpu.memory_space<hbm>> -> memref<1x512xf32, #tpu.memory_space<hbm>>
        %dma_start3A_262 = arith.constant 0 : i32
        %dma_start3A_263 = arith.constant 0 : i32
        %dma_start3A_264 = tpu.memref_slice %arg6[%dma_start3A_262, %dma_start3A_263] : memref<64x512xf32, #tpu.memory_space<vmem>> -> memref<1x512xf32, #tpu.memory_space<vmem>>
        tpu.enqueue_dma source(%dma_start3A_264 : memref<1x512xf32, #tpu.memory_space<vmem>>) target(%dma_start3A_261 : memref<1x512xf32, #tpu.memory_space<hbm>>) target_semaphore(%run_scoped3A : memref<!tpu.dma_semaphore, #tpu.memory_space<semaphore_mem>>)
        %dma_wait3A = arith.constant 0 : i32
        %dma_wait3A_265 = arith.constant 0 : i32
        %dma_wait3A_266 = tpu.memref_slice %arg6[%dma_wait3A, %dma_wait3A_265] : memref<64x512xf32, #tpu.memory_space<vmem>> -> memref<1x512xf32, #tpu.memory_space<vmem>>
        %dma_wait3A_267 = arith.constant 0 : i32
        %dma_wait3A_268 = tpu.memref_slice %arg4[%select_n3A, %add3A_253, %dma_wait3A_267] : memref<16x2048x512xf32, #tpu.memory_space<hbm>> -> memref<1x1x512xf32, #tpu.memory_space<hbm>>
        %dma_wait3A_269 = tpu.memref_squeeze %dma_wait3A_268 : memref<1x1x512xf32, #tpu.memory_space<hbm>> -> memref<1x512xf32, #tpu.memory_space<hbm>>
        %dma_wait3A_270 = arith.constant 0 : i32
        %dma_wait3A_271 = tpu.memref_slice %arg4[%select_n3A, %add3A_253, %dma_wait3A_270] : memref<16x2048x512xf32, #tpu.memory_space<hbm>> -> memref<1x1x512xf32, #tpu.memory_space<hbm>>
        %dma_wait3A_272 = tpu.memref_squeeze %dma_wait3A_271 : memref<1x1x512xf32, #tpu.memory_space<hbm>> -> memref<1x512xf32, #tpu.memory_space<hbm>>
        %dma_wait3A_273 = arith.constant 0 : i32
        %dma_wait3A_274 = arith.constant 0 : i32
        %dma_wait3A_275 = tpu.memref_slice %arg6[%dma_wait3A_273, %dma_wait3A_274] : memref<64x512xf32, #tpu.memory_space<vmem>> -> memref<1x512xf32, #tpu.memory_space<vmem>>
        tpu.wait_dma2 semaphore(%run_scoped3A : memref<!tpu.dma_semaphore, #tpu.memory_space<semaphore_mem>>) src(%dma_wait3A_275 : memref<1x512xf32, #tpu.memory_space<vmem>>) dst(%dma_wait3A_272 : memref<1x512xf32, #tpu.memory_space<hbm>>)
        tpu.yield
      }) : () -> ()
    } else {
    }
    %jit3A_248 = arith.constant 1 : i32
    %jit3A_249 = arith.constant 0 : i32
    %select_n3A_250 = arith.select %ge3A_244, %jit3A_248, %jit3A_249 : i32
    %add3A_251 = arith.addi %add3A_241, %select_n3A_250 : i32
    %sub3A_252 = arith.subi %sub3A_242, %select_n3A_250 : i32
    return
  }
}

</mosaic_0001>

<sc_bundles>
// kernel: kernel.3.cloned.1.call-start
scs
__scs_entry_jumppad:
0x0: {  	(pc) =	sbr.rel $0x88, $3  }
0x1: {  	(tag) =	ssettag $0x0;
	lr =	simm.s32 $0x1  }
0x2: {  	[smem:$0x3F9F] =	sst lr;
	_ =	strace $0xD0000000  }
0x3: {  	_ = 	snop  }
0x4: {  	_ = 	snop  }
0x5: {  	_ = 	snop  }
0x6: {  	_ = 	snop  }
0x7: {  	_ = 	snop  }
__scs_overlays_trampoline_lowered:
0x8: {  	[smem:$0x3FAE] =	sst s0  }
0x9: {  	[smem:$0x3FAF] =	sst s1  }
0xa: {  	[smem:$0x3FB0] =	sst s2  }
0xb: {  	[smem:$0x3FB1] =	sst s3  }
0xc: {  	[smem:$0x3FB2] =	sst s4  }
0xd: {  	[smem:$0x3FB3] =	sst s5  }
0xe: {  	[smem:$0x3FB4] =	sst s6  }
0xf: {  	[smem:$0x3FB5] =	sst s7  }
0x10: {  	[smem:$0x3FB6] =	sst s8  }
0x11: {  	[smem:$0x3FB7] =	sst s9;
	s0 =	simm.s32 @!p0 $0x0  }
0x12: {  	s1 =	sld [smem:$0x3F9D];
	s0 =	simm.s32 @p0 $0x1  }
0x13: {  	[smem:$0x3FB8] =	sst s0;
	s0 =	simm.s32 @!p1 $0x0  }
0x14: {  	s2 =	sld [smem:$0x3F9C];
	s0 =	simm.s32 @p1 $0x1  }
0x15: {  	[smem:$0x3FB9] =	sst s0;
	s0 =	simm.s32 @!p2 $0x0  }
0x16: {  	s3 =	sld [smem:$0x3FDB];
	s0 =	simm.s32 @p2 $0x1  }
0x17: {  	s4 =	simm.s32 $0x1BF5;
	[smem:$0x3FBB] =	sst s0  }
0x18: {  	s0 =	sld [smem:$0x3F9E];
	_ =	swait.ge [sflag:s4], $0x0  }
0x19: {  	s7 =	sld [smem:$0x3F9F]  }
0x1a: {  	s8 =	sadd.s32 $0xFFFFE003, lr  }
0x1b: {  	s9 =	sadd.s32 $0xFFFFFEF7, lr;
	s5 =	simm.s32 $0xFFFFFFFF;
	p2 =	slt.u32 s8, $0xFFFFF086  }
0x1c: {  	p1 =	slt.u32 s9, $0xF7A;
	s5 =	simm.s32 @!p2 $0x0  }
0x1d: {  	s5 =	simm.s32 @p1 $0x1;
	p0 =	seq.s32 s7, s2  }
0x1e: {  	s7 =	smul.u32 @!p0 $0xF7A, s2;
	p2 =	seq.s32 @!p0 s5, $0x0  }
0x1f: {  	s9 =	smul.u32 $0xF7A, s1;
	s8 =	simm.s32 @!p0 $0x1BF5;
	p2 =	por !p2, p0  }
0x20: {  	[sflag:s8] =	ssyncset.s32 @!p0 $0xFFFFF086;
	s6 =	sadd.s32 @!p0 s3, s7;
	s7 =	simm.s32 @!p0 $0x108  }
0x21: {  	s3 =	sadd.s32 s3, s9;
	s6 =	sadd.s32 @!p0 $0x88, s6;
	s7 =	simm.s32 @p2 $0x1082  }
0x22: {  	[simem:s7], [sflag:s8] =	dma.local @!p0 [hbm:s6], $0xF7A  }
0x23: {  	s9 =	sor.u32 $0xD0000000, s2;
	s6 =	simm.s32 $0x108;
	_ =	swait.ge @!p0 [sflag:s8], $0x0  }
0x24: {  	s3 =	sadd.s32 $0x88, s3;
	s6 =	simm.s32 @!p1 $0x1082;
	[sflag:s4] =	ssyncset.s32 $0xFFFFF086  }
0x25: {  	[simem:s6], [sflag:s4] =	dma.local [hbm:s3], $0xF7A  }
0x26: {  	[smem:$0x3F9F] =	sst s1;
	(tag) =	ssettag s2;
	_ =	strace s9  }
0x27: {  	s1 =	sld [smem:$0x3FAF]  }
0x28: {  	s2 =	sld [smem:$0x3FB0]  }
0x29: {  	s4 =	sld [smem:$0x3FB2]  }
0x2a: {  	p0 =	seq.s32 s5, $0x0;
	s5 =	sld [smem:$0x3FB3]  }
0x2b: {  	s6 =	sld [smem:$0x3FB4]  }
0x2c: {  	s7 =	sld [smem:$0x3FB5]  }
0x2d: {  	s3 =	simm.s32 $0x108;
	s8 =	sld [smem:$0x3FB6]  }
0x2e: {  	s3 =	simm.s32 @!p0 $0x1082;
	s9 =	sld [smem:$0x3FB7]  }
0x2f: {  	lr =	sadd.s32 s0, s3;
	s0 =	sld [smem:$0x3FAE]  }
0x30: {  	s3 =	sld [smem:$0x3FB1]  }
0x31: {  	[smem:$0x3FBA] =	sst s10  }
0x32: {  	s10 =	sld [smem:$0x3FB8];
	_ =	sdelay $0x3  }
0x33: {  	p0 =	seq.s32 s10, $0x1;
	s10 =	sld [smem:$0x3FBA];
	_ =	sdelay $0x3  }
0x34: {  	[smem:$0x3FBA] =	sst s10  }
0x35: {  	s10 =	sld [smem:$0x3FB9];
	_ =	sdelay $0x3  }
0x36: {  	p1 =	seq.s32 s10, $0x1;
	s10 =	sld [smem:$0x3FBA];
	_ =	sdelay $0x3  }
0x37: {  	[smem:$0x3FBA] =	sst s10  }
0x38: {  	s10 =	sld [smem:$0x3FBB]  }
0x39: {  	_ = 	snop;
	(pc) =	sbr.ind lr, $3  }
0x3a: {  	_ = 	snop  }
0x3b: {  	_ = 	snop  }
0x3c: {  	p2 =	seq.s32 s10, $0x1;
	s10 =	sld [smem:$0x3FBA]  }
0x3d: {  	_ =	shalt  }
0x3e: {  	_ =	shalt  }
0x3f: {  	_ =	shalt  }
0x40: {  	_ =	shalt  }
0x41: {  	_ =	shalt  }
0x42: {  	_ =	shalt  }
0x43: {  	_ =	shalt  }
0x44: {  	_ =	shalt  }
0x45: {  	_ =	shalt  }
0x46: {  	_ =	shalt  }
0x47: {  	_ =	shalt  }
0x48: {  	_ =	shalt  }
0x49: {  	_ =	shalt  }
0x4a: {  	_ =	shalt  }
0x4b: {  	_ =	shalt  }
0x4c: {  	_ =	shalt  }
0x4d: {  	_ =	shalt  }
0x4e: {  	_ =	shalt  }
0x4f: {  	_ =	shalt  }
0x50: {  	_ =	shalt  }
0x51: {  	_ =	shalt  }
0x52: {  	_ =	shalt  }
0x53: {  	_ =	shalt  }
0x54: {  	_ =	shalt  }
0x55: {  	_ =	shalt  }
0x56: {  	_ =	shalt  }
0x57: {  	_ =	shalt  }
0x58: {  	_ =	shalt  }
0x59: {  	_ =	shalt  }
0x5a: {  	_ =	shalt  }
0x5b: {  	_ =	shalt  }
0x5c: {  	_ =	shalt  }
0x5d: {  	_ =	shalt  }
0x5e: {  	_ =	shalt  }
0x5f: {  	_ =	shalt  }
0x60: {  	_ =	shalt  }
0x61: {  	_ =	shalt  }
0x62: {  	_ =	shalt  }
0x63: {  	_ =	shalt  }
0x64: {  	_ =	shalt  }
0x65: {  	_ =	shalt  }
0x66: {  	_ =	shalt  }
0x67: {  	_ =	shalt  }
0x68: {  	_ =	shalt  }
0x69: {  	_ =	shalt  }
0x6a: {  	_ =	shalt  }
0x6b: {  	_ =	shalt  }
0x6c: {  	_ =	shalt  }
0x6d: {  	_ =	shalt  }
0x6e: {  	_ =	shalt  }
0x6f: {  	_ =	shalt  }
0x70: {  	_ =	shalt  }
0x71: {  	_ =	shalt  }
0x72: {  	_ =	shalt  }
0x73: {  	_ =	shalt  }
0x74: {  	_ =	shalt  }
0x75: {  	_ =	shalt  }
0x76: {  	_ =	shalt  }
0x77: {  	_ =	shalt  }
0x78: {  	_ =	shalt  }
0x79: {  	_ =	shalt  }
0x7a: {  	_ =	shalt  }
0x7b: {  	_ =	shalt  }
0x7c: {  	_ =	shalt  }
0x7d: {  	_ =	shalt  }
0x7e: {  	_ =	shalt  }
0x7f: {  	_ =	shalt  }
0x80: {  	_ =	shalt  }
0x81: {  	_ =	shalt  }
0x82: {  	_ =	shalt  }
0x83: {  	_ =	shalt  }
0x84: {  	_ =	shalt  }
0x85: {  	_ =	shalt  }
0x86: {  	_ =	shalt  }
0x87: {  	_ =	shalt  }
.Lfunc_end0:
.L_simem_size_0:
called_computation.1_lowered:
.L_overlay_start_0:
0x88: {  	s2 =	sld [smem:$0x3FD9]  }
0x89: {  	s3 =	sld [smem:$0x3FFE];
	_ =	sdelay $0x1  }
0x8a: {  	s1 =	srdreg.scid  }
0x8b: {  	s0 =	sand.u32 $0x1, s1  }
0x8c: {  	s17 =	sshll.u32 s0, $0xA;
	s2 =	sadd.s32 s3, s2  }
0x8d: {  	s2 =	sadd.s32 s2, s17  }
0x8e: {  	[smem:$0x3FC6] =	sst s2  }
0x8f: {  	_ = 	snop  }
0x90: {  	s2 =	sld [smem:$0x3FC8]  }
0x91: {  	s18 =	sld [smem:$0x3FD0];
	(tm) =	ssettm $0x1  }
0x92: {  	s4 =	sld [smem:$0x3FFB];
	_ =	sdelay $0x3  }
0x93: {  	_ =	strace s4  }
0x94: {  	s4 =	sld [smem:$0x3FFC];
	_ =	sdelay $0x3  }
0x95: {  	_ =	strace s4  }
0x96: {  	s4 =	sld [smem:$0x3FFD];
	_ =	sdelay $0x3  }
0x97: {  	_ =	strace s4  }
0x98: {  	_ =	strace $0x8FFFFFFF  }
0x99: {  	s19 =	sld [smem:$0x3FDB];
	_ =	sdelay $0x1  }
0x9a: {  	s5 =	simm.s32 $_scs_section_size  }
0x9b: {  	s6 =	simm.s32 $_size__tile_overlayer_lowered;
	s7 =	simm.s32 $_tile_overlayer_lowered  }
0x9c: {  	s22 =	simm.s32 $0x1BFF;
	s21 =	sshll.u32 s7, $0x1;
	s4 =	sadd.s32 s5, s19  }
0x9d: {  	s8 =	simm.s32 $0x0;
	s20 =	sshll.u32 s6, $0x1;
	s6 =	sadd.s32 s21, s4  }
0x9e: {  	[timem:s8], [sflag:s22] =	dma.local [hbm:s6], s20  }
0x9f: {  	_ =	swait.ge [sflag:s22], s20  }
0xa0: {  	s5 =	ssub.s32 $0x0, s20;
	[sflag:s22] =	ssyncset.done $0x0  }
0xa1: {  	[sflag:s22] =	ssyncadd.s32 s5;
	_ =	sdelay $0x1  }
0xa2: {  	s23 =	simm.s32 $0x1B8B  }
0xa3: {  	_ =	swait.ge [sflag:s23], $0x1  }
0xa4: {  	[sflag:s23] =	ssyncset.done $0x0  }
0xa5: {  	s25 =	simm.s32 $0x1B8E;
	s24 =	sld [smem:$0x3FFE];
	[sflag:s23] =	ssyncadd.s32 $0xFFFFFFFF  }
0xa6: {  	s26 =	simm.s32 $execute0_lowered;
	[smem:$0x3FD2] =	sst s25  }
0xa7: {  	s6 =	sshll.u32 s26, $0x1;
	_ =	strace $0x80000049;
	[dreg:$0x1] =	wrdreg $0xFFFFFFFF  }
0xa8: {  	s28 =	simm.s32 $_size_execute0_lowered;
	s4 =	sadd.s32 s4, s6;
	[dreg:$0x0] =	wrdreg $0x0  }
0xa9: {  	s6 =	sshll.u32 s28, $0x1;
	[dreg:$0x2] =	wrdreg s4  }
0xaa: {  	[dreg:$0x3] =	wrdreg s6  }
0xab: {  	[dreg:$0x4] =	wrdreg $0xC0  }
0xac: {  	_ =	task [dreg:s8], $0x5FFFF  }
0xad: {  	[dreg:$0x1] =	wrdreg $0xFFFFFFFF  }
0xae: {  	[dreg:$0x0] =	wrdreg $0x60  }
0xaf: {  	[dreg:$0x2] =	wrdreg s18  }
0xb0: {  	[dreg:$0x3] =	wrdreg s2  }
0xb1: {  	[dreg:$0x4] =	wrdreg s24  }
0xb2: {  	[dreg:$0x5] =	wrdreg $0x9  }
0xb3: {  	_ =	task.clear_ibuf [dreg:s8], $0x6FFFF;
	_ =	strace $0x90000049  }
0xb4: {  	s29 =	simm.s32 $0x9;
	_ =	strace $0x8000004B  }
0xb5: {  	_ =	swait.ge [sflag:s29], $0x1  }
0xb6: {  	[sflag:s29] =	ssyncadd.s32 $0xFFFFFFFF  }
0xb7: {  	_ =	strace $0x9000004B  }
0xb8: {  	_ =	sfence  }
0xb9: {  	s30 =	sld [smem:$0x0];
	_ =	sdelay $0x2  }
0xba: {  	s31 =	sshll.u32 s1, $0xD;
	s1 =	sshrl.u32 s1, $0x2  }
0xbb: {  	s3 =	sand.u32 $0x4000, s31;
	s1 =	sadd.s32 s1, s30  }
0xbc: {  	s0 =	sor.u32 s3, s0;
	s1 =	sshll.u32 s1, $0x11  }
0xbd: {  	s0 =	sor.u32 s1, s0  }
0xbe: {  	s0 =	sadd.s32 $0x8F2B, s0  }
0xbf: {  	[sflag:s0] =	ssyncadd.remote.s32 $0x1  }
0xc0: {  	_ =	sfence.sel $0xFFFF  }
0xc1: {  	[dreg:$0x0] =	wrdreg $0xFFFFFFFF;
	(pc) =	sbr.abs _section_cstart, $3  }
0xc2: {  	[dreg:$0x1] =	wrdreg $0xFFFFFFFF  }
0xc3: {  	_ =	task.clear_ibuf [dreg:s8], $0x2FFFF;
	_ =	strace $0x9FFFFFFF  }
0xc4: {  	(tm) =	ssettm $0x7FFFFFFF  }
0xc5: {  	_ =	shalt  }
tec
execute0_lowered:
.L_overlay_start_1:
0x0: {  	(tag) =	ssettag $0x1  }
0x1: {  	s1 =	rddreg [dreg:$0x0]  }
0x2: {  	s2 =	srdreg.scid;
	s3 =	rddreg [dreg:$0x1]  }
0x3: {  	s0 =	stileid.u32;
	s5 =	rddreg [dreg:$0x2];
	s11 =	sand.u32 $0x1, s2  }
0x4: {  	s4 =	simm.s32 $0x0;
	s6 =	simm.s32 $0x1;
	s2 =	sor.u32 s11, s0  }
0x5: {  	s14 =	simm.s32 $0x18;
	p1 =	seq.s32 s11, $0x1;
	p0 =	seq.s32 s2, $0x0  }
0x6: {  	s15 =	simm.s32 $0x0;
	[smem:$0x7FF] =	sst s4;
	p0 =	por !p0, !p1  }
0x7: {  	s5 =	sadd.s32 $0x800, s5;
	s31 =	sshll.u32 s0, $0x6;
	p0 =	por !p0, !p0  }
0x8: {  	s7 =	ssub.s32 $0x2, s11;
	s9 =	sshll.u32 s11, $0x13;
	s6 =	simm.s32 @!p0 $0x0  }
.Ltmp0:
0x9: {  	s2 =	rddreg [dreg:$0x3];
	s12 =	ssub.s32 s0, s6;
	(pc) =	sbr.rel .LBB2_1-.Ltmp0, $4  }
0xa: {  	_ =	strace $0x8000004A;
	s8 =	sshrl.u32 s7, $0x1;
	s6 =	sshll.u32 s12, $0x14  }
0xb: {  	s10 =	ssub.s32 s7, s8;
	s7 =	simm.s32 $0x1;
	s8 =	sor.u32 s9, s6  }
0xc: {  	v2 =	vlaneseq.u32;
	s10 =	smax.u32 s10, $0x1;
	v1 =	vmov s12;
	s9 =	sshll.u32 s11, $0xA;
	s13 =	sshrl.u32 s8, $0x3  }
0xd: {  	v0 =	vimm.f32 $0.0e+00;
	s11 =	sshll.u32 s11, $0x10;
	vm0 =	veq.s32 v1, v2;
	s12 =	sadd.s32 s13, s5;
	s13 =	sor.u32 $0x1C01, s31  }
.LBB2_10:
0xe: {  	[sflag:s7] =	ssyncset.done $0x0  }
0xf: {  	[sflag:s7] =	ssyncadd.s32 $0xFFFF8000  }
.LBB2_11:
0x10: {  	s17 =	sshll.u32 s17, $0x6  }
0x11: {  	s16 =	sadd.s32 s16, s17  }
0x12: {  	p1 =	sgt.s32 s16, $0x3E0  }
0x13: {  	s17 =	sadd.s32 @!p1 s9, s16  }
0x14: {  	s17 =	sshll.u32 @!p1 s17, $0x9  }
0x15: {  	s17 =	sadd.s32 @!p1 s6, s17  }
0x16: {  	s17 =	sshrl.u32 @!p1 s17, $0x3  }
0x17: {  	s18 =	simm.s32 @!p1 $0x0;
	s19 =	simm.s32 @!p1 $0x18;
	s17 =	sadd.s32 @!p1 s5, s17  }
0x18: {  	[hbm4b:s17+s18] =	stream.linear.scatter @!p1 [tilespmem:s19], [sflag:$0x1], $0x4000, $0x38;
	[tilespmem:$0x8018] =	vst v63  }
0x19: {  	s17 =	simm.s32 @!p1 $0x20  }
0x1a: {  	s17 =	simm.s32 @p1 $0x0  }
0x1b: {  	s16 =	sadd.s32 s16, s17  }
0x1c: {  	p0 =	sgt.s32 s16, $0x3F0  }
0x1d: {  	s17 =	simm.s32 @!p1 $0x1;
	s18 =	sadd.s32 @!p0 s9, s16  }
0x1e: {  	_ =	swait.ge @!p1 [sflag:s17], $0x4000;
	s18 =	sshll.u32 @!p0 s18, $0x9  }
0x1f: {  	[sflag:s17] =	ssyncset.done @!p1 $0x0;
	s18 =	sadd.s32 @!p0 s6, s18  }
0x20: {  	[sflag:s17] =	ssyncadd.s32 @!p1 $0xFFFFC000;
	s17 =	sshrl.u32 @!p0 s18, $0x3  }
0x21: {  	s19 =	simm.s32 @!p0 $0x18;
	s18 =	simm.s32 @!p0 $0x0;
	s17 =	sadd.s32 @!p0 s5, s17  }
0x22: {  	[hbm4b:s17+s18] =	stream.linear.scatter @!p0 [tilespmem:s19], [sflag:$0x1], $0x2000, $0x38;
	[tilespmem:$0x8018] =	vst v63  }
0x23: {  	s17 =	simm.s32 @!p0 $0x10  }
0x24: {  	s17 =	simm.s32 @p0 $0x0  }
0x25: {  	s16 =	sadd.s32 s16, s17  }
0x26: {  	p1 =	sgt.s32 s16, $0x3F8  }
0x27: {  	s17 =	simm.s32 @!p0 $0x1;
	s18 =	sadd.s32 @!p1 s9, s16  }
0x28: {  	_ =	swait.ge @!p0 [sflag:s17], $0x2000;
	s18 =	sshll.u32 @!p1 s18, $0x9  }
0x29: {  	[sflag:s17] =	ssyncset.done @!p0 $0x0;
	s18 =	sadd.s32 @!p1 s6, s18  }
0x2a: {  	[sflag:s17] =	ssyncadd.s32 @!p0 $0xFFFFE000;
	s17 =	sshrl.u32 @!p1 s18, $0x3  }
0x2b: {  	s19 =	simm.s32 @!p1 $0x18;
	s18 =	simm.s32 @!p1 $0x0;
	s17 =	sadd.s32 @!p1 s5, s17  }
0x2c: {  	[hbm4b:s17+s18] =	stream.linear.scatter @!p1 [tilespmem:s19], [sflag:$0x1], $0x1000, $0x38;
	[tilespmem:$0x8018] =	vst v63  }
0x2d: {  	s17 =	simm.s32 @!p1 $0x8  }
0x2e: {  	s17 =	simm.s32 @p1 $0x0  }
0x2f: {  	s16 =	sadd.s32 s16, s17  }
0x30: {  	p2 =	sgt.s32 s16, $0x3FC  }
0x31: {  	s17 =	simm.s32 @!p1 $0x1;
	s18 =	sadd.s32 @!p2 s9, s16  }
0x32: {  	_ =	swait.ge @!p1 [sflag:s17], $0x1000;
	s18 =	sshll.u32 @!p2 s18, $0x9  }
0x33: {  	[sflag:s17] =	ssyncset.done @!p1 $0x0;
	s18 =	sadd.s32 @!p2 s6, s18  }
0x34: {  	[sflag:s17] =	ssyncadd.s32 @!p1 $0xFFFFF000;
	s17 =	sshrl.u32 @!p2 s18, $0x3  }
0x35: {  	s19 =	simm.s32 @!p2 $0x18;
	s18 =	simm.s32 @!p2 $0x0;
	s17 =	sadd.s32 @!p2 s5, s17  }
0x36: {  	[hbm4b:s17+s18] =	stream.linear.scatter @!p2 [tilespmem:s19], [sflag:$0x1], $0x800, $0x38;
	[tilespmem:$0x8018] =	vst v63  }
0x37: {  	s17 =	simm.s32 @!p2 $0x4  }
0x38: {  	s17 =	simm.s32 @p2 $0x0  }
0x39: {  	s16 =	sadd.s32 s16, s17  }
0x3a: {  	p0 =	sgt.s32 s16, $0x3FE  }
0x3b: {  	s17 =	simm.s32 @!p2 $0x1;
	s18 =	sadd.s32 @!p0 s9, s16  }
0x3c: {  	_ =	swait.ge @!p2 [sflag:s17], $0x800;
	s18 =	sshll.u32 @!p0 s18, $0x9  }
0x3d: {  	[sflag:s17] =	ssyncset.done @!p2 $0x0;
	s18 =	sadd.s32 @!p0 s6, s18  }
0x3e: {  	[sflag:s17] =	ssyncadd.s32 @!p2 $0xFFFFF800;
	s17 =	sshrl.u32 @!p0 s18, $0x3  }
0x3f: {  	s19 =	simm.s32 @!p0 $0x18;
	s18 =	simm.s32 @!p0 $0x0;
	s17 =	sadd.s32 @!p0 s5, s17  }
0x40: {  	[hbm4b:s17+s18] =	stream.linear.scatter @!p0 [tilespmem:s19], [sflag:$0x1], $0x400, $0x38;
	[tilespmem:$0x8018] =	vst v63  }
0x41: {  	s17 =	simm.s32 @!p0 $0x2  }
0x42: {  	s31 =	ssub.s32 $0x400, s16;
	s17 =	simm.s32 @p0 $0x0  }
0x43: {  	p1 =	sle.s32 s31, s17  }
0x44: {  	s16 =	sadd.s32 @!p1 s9, s16  }
0x45: {  	s18 =	simm.s32 @!p0 $0x1;
	s16 =	sadd.s32 @!p1 s17, s16  }
0x46: {  	_ =	swait.ge @!p0 [sflag:s18], $0x400;
	s16 =	sshll.u32 @!p1 s16, $0x9  }
0x47: {  	s15 =	sadd.s32 $0x1, s15;
	[sflag:s18] =	ssyncset.done @!p0 $0x0;
	s16 =	sadd.s32 @!p1 s6, s16  }
0x48: {  	[sflag:s18] =	ssyncadd.s32 @!p0 $0xFFFFFC00;
	s18 =	simm.s32 @!p1 $0x18;
	s16 =	sshrl.u32 @!p1 s16, $0x3  }
0x49: {  	p0 =	sne.s32 s15, s10;
	s17 =	simm.s32 @!p1 $0x0;
	s16 =	sadd.s32 @!p1 s5, s16  }
0x4a: {  	[hbm4b:s16+s17] =	stream.linear.scatter @!p1 [tilespmem:s18], [sflag:$0x1], $0x200, $0x38;
	[tilespmem:$0x8018] =	vst v63  }
.Ltmp1:
0x4b: {  	_ = 	snop;
	(pc) =	sbr.rel @!p0 .LBB2_12-.Ltmp1, $4  }
0x4c: {  	s16 =	simm.s32 @!p1 $0x1  }
0x4d: {  	_ =	swait.ge @!p1 [sflag:s16], $0x200  }
0x4e: {  	[sflag:s16] =	ssyncset.done @!p1 $0x0  }
0x4f: {  	[sflag:s16] =	ssyncadd.s32 @!p1 $0xFFFFFE00  }
.LBB2_1:
0x50: {  	[tilespmem:s4], [sflag:$0x1] =	stream.linear.gather [hbm4b:s3+s4], $0x18, $0x38;
	[tilespmem:$0x8018] =	vst v63  }
0x51: {  	_ =	swait.ge [sflag:s7], $0x18  }
0x52: {  	[sflag:s7] =	ssyncset.done $0x0  }
0x53: {  	[sflag:s7] =	ssyncadd.s32 $0xFFFFFFE8  }
0x54: {  	v2 =	vld [tilespmem:$0x0]  }
0x55: {  	s19 =	simm.s32 $0x0;
	s16 =	simm.s32 $0x800;
	v1 =	vld [tilespmem:$0x1]  }
.LBB2_2:
0x56: {  	p0 =	sne.s32 s16, $0x1F800;
	[tilespmem:s19+$0x208] =	vst v0  }
0x57: {  	[tilespmem:s19+$0x18] =	vst v0  }
0x58: {  	[tilespmem:s19+$0x28] =	vst v0  }
0x59: {  	[tilespmem:s19+$0x38] =	vst v0  }
0x5a: {  	[tilespmem:s19+$0x48] =	vst v0  }
0x5b: {  	[tilespmem:s19+$0x58] =	vst v0  }
0x5c: {  	[tilespmem:s19+$0x68] =	vst v0  }
0x5d: {  	[tilespmem:s19+$0x78] =	vst v0  }
0x5e: {  	[tilespmem:s19+$0x88] =	vst v0  }
0x5f: {  	[tilespmem:s19+$0x98] =	vst v0  }
0x60: {  	[tilespmem:s19+$0xA8] =	vst v0  }
0x61: {  	[tilespmem:s19+$0xB8] =	vst v0  }
0x62: {  	[tilespmem:s19+$0xC8] =	vst v0  }
0x63: {  	[tilespmem:s19+$0xD8] =	vst v0  }
0x64: {  	[tilespmem:s19+$0xE8] =	vst v0  }
0x65: {  	[tilespmem:s19+$0xF8] =	vst v0  }
0x66: {  	[tilespmem:s19+$0x108] =	vst v0  }
0x67: {  	[tilespmem:s19+$0x118] =	vst v0  }
0x68: {  	[tilespmem:s19+$0x128] =	vst v0  }
0x69: {  	[tilespmem:s19+$0x138] =	vst v0  }
0x6a: {  	[tilespmem:s19+$0x148] =	vst v0  }
0x6b: {  	[tilespmem:s19+$0x158] =	vst v0  }
0x6c: {  	[tilespmem:s19+$0x168] =	vst v0  }
0x6d: {  	[tilespmem:s19+$0x178] =	vst v0  }
0x6e: {  	[tilespmem:s19+$0x188] =	vst v0  }
0x6f: {  	[tilespmem:s19+$0x198] =	vst v0  }
0x70: {  	[tilespmem:s19+$0x1A8] =	vst v0  }
.Ltmp2:
0x71: {  	[tilespmem:s19+$0x1B8] =	vst v0;
	(pc) =	sbr.rel @p0 .LBB2_2-.Ltmp2, $4  }
0x72: {  	[tilespmem:s19+$0x1C8] =	vst v0  }
0x73: {  	[tilespmem:s19+$0x1D8] =	vst v0  }
0x74: {  	[tilespmem:s19+$0x1E8] =	vst v0  }
0x75: {  	[tilespmem:s19+$0x1F8] =	vst v0;
	s19 =	sshra.s32 s16, $0x2;
	s16 =	sadd.s32 $0x800, s16  }
0x76: {  	v2 =	vnsel vm0, $0x0, v2  }
0x77: {  	v1 =	vnsel vm0, $0x0, v1;
	(xrf0) =	vadd.scan.msk.s32 $0xffff, v2  }
0x78: {  	(xrf0) =	vadd.scan.msk.s32 $0xffff, v1;
	_ =	sdelay $0x4  }
0x79: {  	v1, _, _ =	vpop (xrf0)  }
0x7a: {  	(v2sf) =	vpush v1, $0xF;
	v1, _, _ =	vpop (xrf0)  }
0x7b: {  	[tilespmem:s19+$0x208] =	vst v0;
	(v2sf) =	vpush v1, $0xF  }
0x7c: {  	[tilespmem:s19+$0x18] =	vst v0  }
0x7d: {  	[tilespmem:s19+$0x28] =	vst v0  }
0x7e: {  	[tilespmem:s19+$0x38] =	vst v0  }
0x7f: {  	[tilespmem:s19+$0x48] =	vst v0  }
0x80: {  	[tilespmem:s19+$0x58] =	vst v0  }
0x81: {  	[tilespmem:s19+$0x68] =	vst v0  }
0x82: {  	[tilespmem:s19+$0x78] =	vst v0  }
0x83: {  	[tilespmem:s19+$0x88] =	vst v0  }
0x84: {  	[tilespmem:s19+$0x98] =	vst v0  }
0x85: {  	[tilespmem:s19+$0xA8] =	vst v0  }
0x86: {  	[tilespmem:s19+$0xB8] =	vst v0  }
0x87: {  	[tilespmem:s19+$0xC8] =	vst v0  }
0x88: {  	[tilespmem:s19+$0xD8] =	vst v0  }
0x89: {  	[tilespmem:s19+$0xE8] =	vst v0;
	s21 =	spop (v2sf)  }
0x8a: {  	[tilespmem:s19+$0xF8] =	vst v0;
	s16 =	spop (v2sf);
	s18 =	sadd.s32 s9, s21  }
0x8b: {  	[tilespmem:s19+$0x108] =	vst v0;
	s17 =	ssub.s32 s16, s18  }
0x8c: {  	[tilespmem:s19+$0x118] =	vst v0;
	p0 =	sgt.s32 s17, $0x0;
	s16 =	smov.u32 s17  }
0x8d: {  	[tilespmem:s19+$0x128] =	vst v0;
	s16 =	simm.s32 @!p0 $0x0  }
0x8e: {  	[tilespmem:s19+$0x138] =	vst v0;
	s16 =	smin.u32 s16, $0x400  }
0x8f: {  	[tilespmem:s19+$0x148] =	vst v0;
	s20 =	sand.u32 $0x3F, s16  }
0x90: {  	[tilespmem:s19+$0x158] =	vst v0;
	p6 =	slt.s32 s17, $0x1;
	p1 =	sne.s32 s20, $0x0  }
0x91: {  	[tilespmem:s19+$0x168] =	vst v0;
	p0 =	por !p6, !p1  }
0x92: {  	[tilespmem:s19+$0x178] =	vst v0;
	s20 =	simm.s32 $0x1;
	p0 =	por !p0, !p0  }
0x93: {  	[tilespmem:s19+$0x188] =	vst v0;
	s22 =	sshrl.u32 s16, $0x6;
	s20 =	simm.s32 @!p0 $0x0  }
0x94: {  	[tilespmem:s19+$0x198] =	vst v0;
	s20 =	ssub.s32 s22, s20  }
0x95: {  	[tilespmem:s19+$0x1A8] =	vst v0;
	p0 =	slt.s32 s20, $0x1  }
.Ltmp3:
0x96: {  	[tilespmem:s19+$0x1B8] =	vst v0;
	(pc) =	sbr.rel @p0 .LBB2_7-.Ltmp3, $4  }
0x97: {  	[tilespmem:s19+$0x1C8] =	vst v0  }
0x98: {  	[tilespmem:s19+$0x1D8] =	vst v0  }
0x99: {  	[tilespmem:s19+$0x1E8] =	vst v0  }
0x9a: {  	[tilespmem:s19+$0x1F8] =	vst v0  }
0x9b: {  	s31 =	ssub.s32 $0x0, s20  }
0x9c: {  	s19 =	sshll.u32 s21, $0x6;
	s21 =	sadd.s32 $0x1, s31  }
0x9d: {  	s19 =	sadd.s32 s19, s11;
	p0 =	seq.s32 s21, $0x0  }
.Ltmp4:
0x9e: {  	s22 =	sand.u32 $0x1FFFFFC0, s19;
	(pc) =	sbr.rel @p0 .LBB2_6-.Ltmp4, $4  }
0x9f: {  	s22 =	sadd.s32 s1, s22  }
0xa0: {  	[hbm:s12], [sflag:s13] =	dma.local [hbm:s22], $0x1000  }
0xa1: {  	_ =	swait.ge [sflag:s7], $0x1000  }
0xa2: {  	s22 =	sadd.s32 $0x1000, s12;
	[sflag:s7] =	ssyncset.done $0x0  }
.LBB2_5:
0xa3: {  	s21 =	sadd.s32 $0x1, s21  }
0xa4: {  	[sflag:s7] =	ssyncadd.s32 $0xFFFFF000;
	s19 =	sadd.s32 $0x1000, s19;
	p0 =	seq.s32 s21, $0x0  }
.Ltmp5:
0xa5: {  	s23 =	sand.u32 $0x1FFFFFC0, s19;
	(pc) =	sbr.rel @!p0 .LBB2_5-.Ltmp5, $4  }
0xa6: {  	s23 =	sadd.s32 s1, s23  }
0xa7: {  	[hbm:s22], [sflag:s13] =	dma.local [hbm:s23], $0x1000  }
0xa8: {  	_ =	swait.ge [sflag:s7], $0x1000  }
0xa9: {  	s22 =	sadd.s32 $0x1000, s22;
	[sflag:s7] =	ssyncset.done $0x0  }
.LBB2_6:
0xaa: {  	[sflag:s7] =	ssyncadd.s32 $0xFFFFF000  }
.LBB2_7:
0xab: {  	s19 =	sshll.u32 s20, $0x6  }
0xac: {  	s20 =	ssub.s32 s16, s19  }
0xad: {  	p1 =	slt.s32 s20, $0x20  }
0xae: {  	s21 =	sadd.s32 @!p1 s9, s19  }
0xaf: {  	s22 =	sadd.s32 @!p1 s18, s19;
	s21 =	sshll.u32 @!p1 s21, $0x9  }
0xb0: {  	s22 =	sshll.u32 @!p1 s22, $0x6;
	s21 =	sadd.s32 @!p1 s6, s21  }
0xb1: {  	s23 =	sshll.u32 @!p1 s0, $0x6;
	s22 =	sand.u32 @!p1 $0x1FFFFFC0, s22;
	s21 =	sshrl.u32 @!p1 s21, $0x3  }
0xb2: {  	s23 =	sor.u32 @!p1 $0x1C01, s23;
	s22 =	sadd.s32 @!p1 s1, s22;
	s21 =	sadd.s32 @!p1 s5, s21  }
0xb3: {  	[hbm:s21], [sflag:s23] =	dma.local @!p1 [hbm:s22], $0x800  }
0xb4: {  	s21 =	simm.s32 @!p1 $0x20  }
0xb5: {  	s21 =	simm.s32 @p1 $0x0  }
0xb6: {  	s20 =	ssub.s32 s20, s21  }
0xb7: {  	s22 =	simm.s32 @!p1 $0x1;
	s19 =	sor.u32 s19, s21;
	p0 =	slt.s32 s20, $0x10  }
0xb8: {  	_ =	swait.ge @!p1 [sflag:s22], $0x800;
	s21 =	sadd.s32 @!p0 s9, s19  }
0xb9: {  	[sflag:s22] =	ssyncset.done @!p1 $0x0;
	s23 =	sadd.s32 @!p0 s18, s19;
	s21 =	sshll.u32 @!p0 s21, $0x9  }
0xba: {  	[sflag:s22] =	ssyncadd.s32 @!p1 $0xFFFFF800;
	s22 =	sshll.u32 @!p0 s23, $0x6;
	s21 =	sadd.s32 @!p0 s6, s21  }
0xbb: {  	s23 =	sshll.u32 @!p0 s0, $0x6;
	s22 =	sand.u32 @!p0 $0x1FFFFFC0, s22;
	s21 =	sshrl.u32 @!p0 s21, $0x3  }
0xbc: {  	s23 =	sor.u32 @!p0 $0x1C01, s23;
	s22 =	sadd.s32 @!p0 s1, s22;
	s21 =	sadd.s32 @!p0 s5, s21  }
0xbd: {  	[hbm:s21], [sflag:s23] =	dma.local @!p0 [hbm:s22], $0x400  }
0xbe: {  	s21 =	simm.s32 @!p0 $0x10  }
0xbf: {  	s21 =	simm.s32 @p0 $0x0  }
0xc0: {  	s20 =	ssub.s32 s20, s21  }
0xc1: {  	s22 =	simm.s32 @!p0 $0x1;
	s19 =	sor.u32 s19, s21;
	p1 =	slt.s32 s20, $0x8  }
0xc2: {  	_ =	swait.ge @!p0 [sflag:s22], $0x400;
	s21 =	sadd.s32 @!p1 s9, s19  }
0xc3: {  	[sflag:s22] =	ssyncset.done @!p0 $0x0;
	s23 =	sadd.s32 @!p1 s18, s19;
	s21 =	sshll.u32 @!p1 s21, $0x9  }
0xc4: {  	[sflag:s22] =	ssyncadd.s32 @!p0 $0xFFFFFC00;
	s22 =	sshll.u32 @!p1 s23, $0x6;
	s21 =	sadd.s32 @!p1 s6, s21  }
0xc5: {  	s23 =	sshll.u32 @!p1 s0, $0x6;
	s22 =	sand.u32 @!p1 $0x1FFFFFC0, s22;
	s21 =	sshrl.u32 @!p1 s21, $0x3  }
0xc6: {  	s23 =	sor.u32 @!p1 $0x1C01, s23;
	s22 =	sadd.s32 @!p1 s1, s22;
	s21 =	sadd.s32 @!p1 s5, s21  }
0xc7: {  	[hbm:s21], [sflag:s23] =	dma.local @!p1 [hbm:s22], $0x200  }
0xc8: {  	s21 =	simm.s32 @!p1 $0x8  }
0xc9: {  	s21 =	simm.s32 @p1 $0x0  }
0xca: {  	s20 =	ssub.s32 s20, s21  }
0xcb: {  	s22 =	simm.s32 @!p1 $0x1;
	s19 =	sor.u32 s19, s21;
	p0 =	slt.s32 s20, $0x4  }
0xcc: {  	_ =	swait.ge @!p1 [sflag:s22], $0x200;
	s21 =	sadd.s32 @!p0 s9, s19  }
0xcd: {  	[sflag:s22] =	ssyncset.done @!p1 $0x0;
	s23 =	sadd.s32 @!p0 s18, s19;
	s21 =	sshll.u32 @!p0 s21, $0x9  }
0xce: {  	[sflag:s22] =	ssyncadd.s32 @!p1 $0xFFFFFE00;
	s22 =	sshll.u32 @!p0 s23, $0x6;
	s21 =	sadd.s32 @!p0 s6, s21  }
0xcf: {  	s23 =	sshll.u32 @!p0 s0, $0x6;
	s22 =	sand.u32 @!p0 $0x1FFFFFC0, s22;
	s21 =	sshrl.u32 @!p0 s21, $0x3  }
0xd0: {  	s23 =	sor.u32 @!p0 $0x1C01, s23;
	s22 =	sadd.s32 @!p0 s1, s22;
	s21 =	sadd.s32 @!p0 s5, s21  }
0xd1: {  	[hbm:s21], [sflag:s23] =	dma.local @!p0 [hbm:s22], $0x100  }
0xd2: {  	s21 =	simm.s32 @!p0 $0x4  }
0xd3: {  	s21 =	simm.s32 @p0 $0x0  }
0xd4: {  	s20 =	ssub.s32 s20, s21  }
0xd5: {  	s22 =	simm.s32 @!p0 $0x1;
	s19 =	sor.u32 s19, s21;
	p1 =	slt.s32 s20, $0x2  }
0xd6: {  	_ =	swait.ge @!p0 [sflag:s22], $0x100;
	s21 =	sadd.s32 @!p1 s9, s19  }
0xd7: {  	[sflag:s22] =	ssyncset.done @!p0 $0x0;
	s23 =	sadd.s32 @!p1 s18, s19;
	s21 =	sshll.u32 @!p1 s21, $0x9  }
0xd8: {  	[sflag:s22] =	ssyncadd.s32 @!p0 $0xFFFFFF00;
	s22 =	sshll.u32 @!p1 s23, $0x6;
	s21 =	sadd.s32 @!p1 s6, s21  }
0xd9: {  	s23 =	sshll.u32 @!p1 s0, $0x6;
	s22 =	sand.u32 @!p1 $0x1FFFFFC0, s22;
	s21 =	sshrl.u32 @!p1 s21, $0x3  }
0xda: {  	s23 =	sor.u32 @!p1 $0x1C01, s23;
	s22 =	sadd.s32 @!p1 s1, s22;
	s21 =	sadd.s32 @!p1 s5, s21  }
0xdb: {  	[hbm:s21], [sflag:s23] =	dma.local @!p1 [hbm:s22], $0x80  }
0xdc: {  	s22 =	simm.s32 @!p1 $0x2  }
0xdd: {  	s29 =	ssub.s32 $0x400, s16;
	s22 =	simm.s32 @p1 $0x0  }
0xde: {  	p6 =	sgt.s32 s17, $0x3FF;
	s21 =	simm.s32 @!p1 $0x1;
	p0 =	sle.s32 s20, s22  }
0xdf: {  	s30 =	sand.u32 $0x3F, s29;
	_ =	swait.ge @!p1 [sflag:s21], $0x80;
	s19 =	sor.u32 @!p0 s19, s22  }
0xe0: {  	[sflag:s21] =	ssyncset.done @!p1 $0x0;
	s18 =	sadd.s32 @!p0 s18, s19;
	s19 =	sadd.s32 @!p0 s9, s19  }
0xe1: {  	p2 =	sne.s32 s30, $0x0;
	[sflag:s21] =	ssyncadd.s32 @!p1 $0xFFFFFF80;
	s19 =	sshll.u32 @!p0 s19, $0x9  }
0xe2: {  	p1 =	por !p6, !p2;
	s18 =	sshll.u32 @!p0 s18, $0x6;
	s17 =	sadd.s32 @!p0 s6, s19  }
0xe3: {  	s18 =	sand.u32 @!p0 $0x1FFFFFC0, s18;
	s19 =	sshll.u32 @!p0 s0, $0x6;
	s17 =	sshrl.u32 @!p0 s17, $0x3  }
0xe4: {  	s18 =	sadd.s32 @!p0 s1, s18;
	s19 =	sor.u32 @!p0 $0x1C01, s19;
	s17 =	sadd.s32 @!p0 s5, s17  }
0xe5: {  	[hbm:s17], [sflag:s19] =	dma.local @!p0 [hbm:s18], $0x40  }
0xe6: {  	p1 =	por !p1, !p1;
	s17 =	simm.s32 $0x1  }
0xe7: {  	s31 =	sshrl.u32 s29, $0x6;
	s17 =	simm.s32 @!p1 $0x0  }
0xe8: {  	s17 =	ssub.s32 s31, s17  }
0xe9: {  	p1 =	slt.s32 s17, $0x1  }
.Ltmp6:
0xea: {  	_ = 	snop;
	(pc) =	sbr.rel @p1 .LBB2_11-.Ltmp6, $4  }
0xeb: {  	s18 =	simm.s32 @!p0 $0x1  }
0xec: {  	_ =	swait.ge @!p0 [sflag:s18], $0x40  }
0xed: {  	[sflag:s18] =	ssyncset.done @!p0 $0x0  }
0xee: {  	[sflag:s18] =	ssyncadd.s32 @!p0 $0xFFFFFFC0  }
0xef: {  	s18 =	sshll.u32 s16, $0x9;
	p0 =	sne.s32 s17, $0x1  }
.Ltmp7:
0xf0: {  	s19 =	sadd.s32 s18, s8;
	(pc) =	sbr.rel @!p0 .LBB2_10-.Ltmp7, $4  }
0xf1: {  	s18 =	sshrl.u32 s19, $0x3  }
0xf2: {  	s18 =	sadd.s32 s5, s18  }
0xf3: {  	[hbm4b:s18+s4] =	stream.linear.scatter [tilespmem:s14], [sflag:$0x1], $0x8000, $0x38;
	[tilespmem:$0x8018] =	vst v63  }
0xf4: {  	s19 =	sadd.s32 $0x8000, s19;
	s18 =	sadd.s32 $0xFFFFFFFF, s17;
	_ =	swait.ge [sflag:s7], $0x8000  }
.LBB2_9:
0xf5: {  	s20 =	sshrl.u32 s19, $0x3;
	[sflag:s7] =	ssyncset.done $0x0;
	p0 =	sne.s32 s18, $0x1  }
.Ltmp8:
0xf6: {  	s20 =	sadd.s32 s5, s20;
	[sflag:s7] =	ssyncadd.s32 $0xFFFF8000;
	(pc) =	sbr.rel @p0 .LBB2_9-.Ltmp8, $3  }
0xf7: {  	[hbm4b:s20+s4] =	stream.linear.scatter [tilespmem:s14], [sflag:$0x1], $0x8000, $0x38;
	[tilespmem:$0x8018] =	vst v63  }
0xf8: {  	s18 =	sadd.s32 $0xFFFFFFFF, s18;
	_ =	sdelay $0x1  }
0xf9: {  	s19 =	sadd.s32 $0x8000, s19;
	_ =	swait.ge [sflag:s7], $0x8000  }
.Ltmp9:
0xfa: {  	_ = 	snop;
	(pc) =	sbr.rel .LBB2_10-.Ltmp9, $1  }
0xfb: {  	_ =	sdelay $0x3  }
.LBB2_12:
0xfc: {  	_ =	sfence.sel $0x180000  }
0xfd: {  	[bflag:$0x0] =	sbarrier.arrive $0xFFFF  }
0xfe: {  	p0 =	sne.s32 s0, $0x0;
	_ =	strace $0x9000004A  }
0xff: {  	s0 =	sadd.s32 @!p0 $0x100000, s2;
	[bflag:$0x2] =	sbarrier.arrive $0xFFFF  }
0x100: {  	[sflag:s0] =	ssyncadd.tile.s32 @!p0 $0x1;
	_ =	shalt  }
.Lfunc_end2:
_tile_overlayer_lowered:
.L_overlay_start_2:
0x101: {  	(tag) =	ssettag $0x2  }
0x102: {  	s0 =	rddreg [dreg:$0x0];
	s2 =	stileid.u32  }
0x103: {  	s1 =	rddreg [dreg:$0x1];
	p0 =	sne.s32 s2, $0x0  }
0x104: {  	s3 =	rddreg [dreg:$0x2];
	[bflag:$0x3] =	sbarrier.arrive $0xFFFF;
	s2 =	simm.s32 @!p0 $0x1C01  }
0x105: {  	[timem:s3], [sflag:s2] =	dma.local @!p0 [hbm:s0], s1  }
0x106: {  	s0 =	simm.s32 @!p0 $0x1  }
0x107: {  	_ =	swait.ge @!p0 [sflag:s0], s1  }
0x108: {  	s1 =	ssub.s32 @!p0 $0x0, s1;
	[sflag:s0] =	ssyncset.done @!p0 $0x0  }
0x109: {  	[sflag:s0] =	ssyncadd.s32 @!p0 s1  }
0x10a: {  	[bflag:$0x3] =	sbarrier.arrive $0xFFFF  }
0x10b: {  	_ =	shalt  }

// kernel: sparse-core-data-format-call.cloned.1.call-start
scs
called_computation_lowered:
.L_overlay_start_0:
0x0: {  	s2 =	sld [smem:$0x3FD9]  }
0x1: {  	s3 =	sld [smem:$0x3FFE];
	_ =	sdelay $0x1  }
0x2: {  	s1 =	srdreg.scid  }
0x3: {  	s0 =	sand.u32 $0x1, s1  }
0x4: {  	s19 =	sshll.u32 s0, $0xA;
	s2 =	sadd.s32 s3, s2  }
0x5: {  	s2 =	sadd.s32 s2, s19  }
0x6: {  	[smem:$0x3FC6] =	sst s2  }
0x7: {  	_ = 	snop  }
0x8: {  	s2 =	sld [smem:$0x3FC9]  }
0x9: {  	s20 =	sld [smem:$0x3FD0];
	(tm) =	ssettm $0x1  }
0xa: {  	s4 =	sld [smem:$0x3FFB];
	_ =	sdelay $0x3  }
0xb: {  	_ =	strace s4  }
0xc: {  	s4 =	sld [smem:$0x3FFC];
	_ =	sdelay $0x3  }
0xd: {  	_ =	strace s4  }
0xe: {  	s4 =	sld [smem:$0x3FFD];
	_ =	sdelay $0x3  }
0xf: {  	_ =	strace s4  }
0x10: {  	_ =	strace $0x8FFFFFFF  }
0x11: {  	s21 =	sld [smem:$0x3FDB];
	_ =	sdelay $0x1  }
0x12: {  	s5 =	simm.s32 $_scs_section_size  }
0x13: {  	s6 =	simm.s32 $_size__tile_overlayer_lowered;
	s7 =	simm.s32 $_tile_overlayer_lowered  }
0x14: {  	s24 =	simm.s32 $0x1BFF;
	s23 =	sshll.u32 s7, $0x1;
	s4 =	sadd.s32 s5, s21  }
0x15: {  	s8 =	simm.s32 $0x0;
	s22 =	sshll.u32 s6, $0x1;
	s6 =	sadd.s32 s23, s4  }
0x16: {  	[timem:s8], [sflag:s24] =	dma.local [hbm:s6], s22  }
0x17: {  	_ =	swait.ge [sflag:s24], s22  }
0x18: {  	s5 =	ssub.s32 $0x0, s22;
	[sflag:s24] =	ssyncset.done $0x0  }
0x19: {  	[sflag:s24] =	ssyncadd.s32 s5;
	_ =	sdelay $0x1  }
0x1a: {  	s25 =	simm.s32 $0x1B8B  }
0x1b: {  	_ =	swait.ge [sflag:s25], $0x1  }
0x1c: {  	[sflag:s25] =	ssyncset.done $0x0  }
0x1d: {  	s26 =	simm.s32 $0x1B8E;
	[sflag:s25] =	ssyncadd.s32 $0xFFFFFFFF  }
0x1e: {  	s27 =	simm.s32 $execute0_lowered;
	[smem:$0x3FD2] =	sst s26  }
0x1f: {  	s5 =	sshll.u32 s27, $0x1;
	_ =	strace $0x80000046;
	[dreg:$0x1] =	wrdreg $0xFFFFFFFF  }
0x20: {  	s28 =	simm.s32 $_size_execute0_lowered;
	s4 =	sadd.s32 s4, s5;
	[dreg:$0x0] =	wrdreg $0x0  }
0x21: {  	s5 =	sshll.u32 s28, $0x1;
	[dreg:$0x2] =	wrdreg s4  }
0x22: {  	[dreg:$0x3] =	wrdreg s5  }
0x23: {  	[dreg:$0x4] =	wrdreg $0xC0  }
0x24: {  	_ =	task [dreg:s8], $0x5FFFF  }
0x25: {  	[dreg:$0x1] =	wrdreg $0xFFFFFFFF  }
0x26: {  	[dreg:$0x0] =	wrdreg $0x60  }
0x27: {  	[dreg:$0x2] =	wrdreg s2  }
0x28: {  	[dreg:$0x3] =	wrdreg s20  }
0x29: {  	[dreg:$0x4] =	wrdreg $0x9  }
0x2a: {  	_ =	task.clear_ibuf [dreg:s8], $0x5FFFF;
	_ =	strace $0x90000046  }
0x2b: {  	s29 =	simm.s32 $0x9;
	_ =	strace $0x80000048  }
0x2c: {  	_ =	swait.ge [sflag:s29], $0x1  }
0x2d: {  	[sflag:s29] =	ssyncadd.s32 $0xFFFFFFFF  }
0x2e: {  	_ =	strace $0x90000048  }
0x2f: {  	_ =	sfence  }
0x30: {  	s30 =	sld [smem:$0x0];
	_ =	sdelay $0x2  }
0x31: {  	s31 =	sshll.u32 s1, $0xD;
	s1 =	sshrl.u32 s1, $0x2  }
0x32: {  	s3 =	sand.u32 $0x4000, s31;
	s1 =	sadd.s32 s1, s30  }
0x33: {  	s0 =	sor.u32 s3, s0;
	s1 =	sshll.u32 s1, $0x11  }
0x34: {  	s0 =	sor.u32 s1, s0  }
0x35: {  	s0 =	sadd.s32 $0x8F2B, s0  }
0x36: {  	[sflag:s0] =	ssyncadd.remote.s32 $0x1  }
0x37: {  	_ =	sfence.sel $0xFFFF  }
0x38: {  	[dreg:$0x0] =	wrdreg $0xFFFFFFFF;
	(pc) =	sbr.abs _section_cstart, $3  }
0x39: {  	[dreg:$0x1] =	wrdreg $0xFFFFFFFF  }
0x3a: {  	_ =	task.clear_ibuf [dreg:s8], $0x2FFFF;
	_ =	strace $0x9FFFFFFF  }
0x3b: {  	(tm) =	ssettm $0x7FFFFFFF  }
tec
execute0_lowered:
.L_overlay_start_1:
0x0: {  	(tag) =	ssettag $0x1  }
0x1: {  	s2 =	rddreg [dreg:$0x0]  }
0x2: {  	s0 =	srdreg.scid;
	s3 =	rddreg [dreg:$0x1]  }
0x3: {  	s1 =	stileid.u32;
	s5 =	simm.s32 $0x1;
	s0 =	sshll.u32 s0, $0x4  }
0x4: {  	s6 =	simm.s32 $0x2;
	s8 =	simm.s32 $0x0;
	s4 =	sand.u32 $0x10, s0  }
.Ltmp0:
0x5: {  	s9 =	simm.s32 $0x0;
	s4 =	sor.u32 s1, s4;
	(pc) =	sbr.rel .LBB1_1-.Ltmp0, $4  }
0x6: {  	s0 =	rddreg [dreg:$0x2];
	_ =	strace $0x80000047;
	s4 =	sshll.u32 s4, $0x2  }
0x7: {  	s13 =	simm.s32 $0x0;
	[sflag:s5] =	ssyncpa.u1 $0x0;
	s7 =	ssub.s32 $0x9E8, s4  }
0x8: {  	s10 =	simm.s32 $0x0;
	[sflag:s6] =	ssyncpa.u1 $0x0;
	s6 =	sshrl.u32 s7, $0x7  }
0x9: {  	s12 =	simm.s32 $0x0;
	s11 =	smov.u32 s4;
	s7 =	sadd.s32 $0x2, s6  }
.LBB1_9:
0xa: {  	s15 =	sshll.u32 s12, $0xE  }
0xb: {  	s16 =	sshll.u32 s10, $0x9;
	s15 =	sand.u32 $0x4000, s15  }
0xc: {  	s16 =	sadd.s32 s3, s16;
	s15 =	sor.u32 $0x8000, s15  }
0xd: {  	[hbm4b:s16+s8] =	stream.linear.scatter [tilespmem:s15], [sflag:$0x2], s14, $0x38;
	[tilespmem:$0x10000] =	vst v63  }
.LBB1_10:
0xe: {  	p0 =	slt.u32 s12, $0x2  }
0xf: {  	p1 =	sgt.s32 @!p0 s13, $0x9E7  }
0x10: {  	s14 =	smov.u32 s13;
	s15 =	sshra.s32 @!p0 s13, $0x1F;
	p1 =	por !p1, p0  }
0x11: {  	s13 =	sand.u32 @!p0 s15, s13;
	s14 =	simm.s32 @p1 $0x9E7  }
0x12: {  	s13 =	ssub.s32 @!p0 s14, s13  }
0x13: {  	s13 =	sadd.s32 @!p0 $0xFFFFF619, s13  }
0x14: {  	s14 =	sshll.u32 @!p0 s13, $0xE  }
0x15: {  	p1 =	sgt.s32 @!p0 s13, $0x3;
	s13 =	ssub.s32 @!p0 $0x10000, s14  }
0x16: {  	s15 =	sadd.s32 $0x80, s11;
	p1 =	por !p1, p0;
	s13 =	sshrl.u32 @!p0 s13, $0x2  }
0x17: {  	s13 =	simm.s32 @!p1 $0x0;
	p1 =	sgt.s32 s15, $0x9EA  }
0x18: {  	s15 =	smov.u32 @p1 s4;
	p1 =	sne.s32 s12, s7  }
.Ltmp1:
0x19: {  	_ = 	snop;
	(pc) =	sbr.rel @!p1 .LBB1_11-.Ltmp1, $4  }
0x1a: {  	s14 =	simm.s32 @!p0 $0x2  }
0x1b: {  	s9 =	sadd.s32 $0x4000, s9;
	_ =	swait.ge @!p0 [sflag:s14], s13;
	s16 =	ssub.s32 @!p0 $0x0, s13  }
0x1c: {  	s13 =	smov.u32 s10;
	s12 =	sadd.s32 $0x1, s12;
	[sflag:s14] =	ssyncset.done @!p0 $0x0  }
0x1d: {  	s10 =	smov.u32 s11;
	s11 =	smov.u32 s15;
	[sflag:s14] =	ssyncadd.s32 @!p0 s16  }
.LBB1_1:
0x1e: {  	p0 =	sgt.u32 s12, s6  }
0x1f: {  	p1 =	sgt.s32 @!p0 s11, $0x9E7  }
0x20: {  	s14 =	smov.u32 s11;
	s15 =	sshra.s32 @!p0 s11, $0x1F;
	p1 =	por !p1, p0  }
0x21: {  	s15 =	sand.u32 @!p0 s15, s11;
	s14 =	simm.s32 @p1 $0x9E7  }
0x22: {  	s14 =	ssub.s32 @!p0 s14, s15  }
0x23: {  	s14 =	sadd.s32 @!p0 $0xFFFFF619, s14  }
0x24: {  	s17 =	simm.s32 @!p0 $0x0;
	s15 =	sxor.u32 @!p0 $0xFFFFFFFF, s12;
	s16 =	sshll.u32 @!p0 s14, $0xE  }
0x25: {  	s15 =	sshll.u32 @!p0 s15, $0xE;
	p1 =	sgt.s32 @!p0 s14, $0x3;
	s14 =	ssub.s32 @!p0 $0x10000, s16  }
0x26: {  	p1 =	por !p1, p0;
	s16 =	sshll.u32 @!p0 s11, $0x9;
	s14 =	sshrl.u32 @!p0 s14, $0x2  }
0x27: {  	s15 =	sand.u32 @!p0 $0x4000, s15;
	s16 =	sadd.s32 @!p0 s2, s16;
	s14 =	simm.s32 @!p1 $0x0  }
0x28: {  	[tilespmem:s15], [sflag:$0x1] =	stream.linear.gather @!p0 [hbm4b:s16+s17], s14, $0x38;
	[tilespmem:$0x10000] =	vst v63  }
0x29: {  	p0 =	seq.s32 s12, $0x0  }
0x2a: {  	p1 =	sge.u32 @!p0 s12, s7  }
0x2b: {  	p0 =	por p0, p1  }
.Ltmp2:
0x2c: {  	_ = 	snop;
	(pc) =	sbr.rel @p0 .LBB1_10-.Ltmp2, $1  }
0x2d: {  	_ =	sdelay $0x3  }
0x2e: {  	p0 =	sgt.s32 s10, $0x9E7;
	s14 =	smov.u32 s10;
	s15 =	sshra.s32 s10, $0x1F  }
0x2f: {  	s14 =	simm.s32 @!p0 $0x9E7;
	s15 =	sand.u32 s15, s10  }
0x30: {  	s14 =	ssub.s32 s14, s15  }
0x31: {  	s16 =	sadd.s32 $0x4, s10;
	s14 =	sadd.s32 $0xFFFFF619, s14  }
0x32: {  	p1 =	slt.s32 s16, $0x9EB;
	s30 =	sshll.u32 s14, $0xE  }
0x33: {  	s16 =	simm.s32 @!p1 $0x9EB;
	s15 =	ssub.s32 $0x10000, s30  }
0x34: {  	p0 =	sgt.s32 s14, $0x3;
	s14 =	sshrl.u32 s15, $0x2;
	s15 =	ssub.s32 s16, s10  }
0x35: {  	s14 =	simm.s32 @p0 $0x0;
	p0 =	slt.s32 s15, $0x1  }
.Ltmp3:
0x36: {  	_ = 	snop;
	(pc) =	sbr.rel @p0 .LBB1_9-.Ltmp3, $4  }
0x37: {  	_ = 	snop  }
0x38: {  	_ =	swait.ge [sflag:s5], s14  }
0x39: {  	s31 =	ssub.s32 $0x0, s14;
	[sflag:s5] =	ssyncset.done $0x0  }
0x3a: {  	[sflag:s5] =	ssyncadd.s32 s31  }
0x3b: {  	s17 =	sand.u32 $0x4000, s9  }
0x3c: {  	s18 =	simm.s32 $0x0;
	s16 =	sor.u32 $0x40, s17;
	s17 =	sor.u32 $0x8040, s17  }
.LBB1_4:
0x3d: {  	s19 =	smov.u32 s17;
	s20 =	smov.u32 s16;
	s21 =	simm.s32 $0x0  }
.LBB1_5:
0x3e: {  	v0 =	vmov s19;
	v2 =	vld [tilespmem:s20+$0x30]  }
0x3f: {  	v4 =	vld [tilespmem:s20+$0xFFFFFFD0]  }
0x40: {  	v6 =	vld [tilespmem:s20+$0xFFFFFFE0]  }
0x41: {  	v7 =	vld [tilespmem:s20+$0xFFFFFFF0]  }
0x42: {  	s22 =	simm.s32 $0x0;
	v1 =	vld [tilespmem:s20+$0x0]  }
0x43: {  	v3 =	vld [tilespmem:s20+$0x10];
	[tilespmem:v0+s22+$0x30 ss:$0x1] =	vst.idx.msk $0xffff, v2  }
0x44: {  	v5 =	vld [tilespmem:s20+$0x20];
	[tilespmem:v0+s22+$0xFFFFFFD0 ss:$0x1] =	vst.idx.msk $0xffff, v4  }
0x45: {  	s23 =	sadd.s32 $0x80, s20;
	v2 =	vld [tilespmem:s20+$0xFFFFFFC0];
	[tilespmem:v0+s22+$0xFFFFFFE0 ss:$0x1] =	vst.idx.msk $0xffff, v6  }
0x46: {  	s24 =	simm.s32 $0x800;
	s25 =	simm.s32 $0x1000;
	v4 =	vld [tilespmem:s23+$0x30];
	[tilespmem:v0+s22+$0xFFFFFFF0 ss:$0x1] =	vst.idx.msk $0xffff, v7  }
.LBB1_6:
0x47: {  	p0 =	sne.s32 s25, $0x3800;
	v6 =	vld [tilespmem:s23+$0xFFFFFFD0];
	[tilespmem:v0+s22+$0x0 ss:$0x1] =	vst.idx.msk $0xffff, v1  }
0x48: {  	v7 =	vld [tilespmem:s23+$0xFFFFFFE0];
	[tilespmem:v0+s22+$0x10 ss:$0x1] =	vst.idx.msk $0xffff, v3  }
0x49: {  	v8 =	vld [tilespmem:s23+$0xFFFFFFF0];
	[tilespmem:v0+s22+$0x20 ss:$0x1] =	vst.idx.msk $0xffff, v5  }
.Ltmp4:
0x4a: {  	v1 =	vld [tilespmem:s23+$0x0];
	[tilespmem:v0+s22+$0xFFFFFFC0 ss:$0x1] =	vst.idx.msk $0xffff, v2;
	s22 =	sshra.s32 s24, $0x2;
	s24 =	smov.u32 s25;
	(pc) =	sbr.rel @p0 .LBB1_6-.Ltmp4, $4  }
0x4b: {  	v3 =	vld [tilespmem:s23+$0x10];
	[tilespmem:v0+s22+$0x30 ss:$0x1] =	vst.idx.msk $0xffff, v4  }
0x4c: {  	[tilespmem:v0+s22+$0xFFFFFFD0 ss:$0x1] =	vst.idx.msk $0xffff, v6;
	v5 =	vld [tilespmem:s23+$0x20]  }
0x4d: {  	v2 =	vld [tilespmem:s23+$0xFFFFFFC0];
	[tilespmem:v0+s22+$0xFFFFFFE0 ss:$0x1] =	vst.idx.msk $0xffff, v7;
	s23 =	sadd.s32 $0x80, s23  }
0x4e: {  	s25 =	sadd.s32 $0x800, s25;
	v4 =	vld [tilespmem:s23+$0x30];
	[tilespmem:v0+s22+$0xFFFFFFF0 ss:$0x1] =	vst.idx.msk $0xffff, v8  }
0x4f: {  	_ =	sdelay $0x3  }
0x50: {  	v6 =	vld [tilespmem:s23+$0xFFFFFFD0];
	[tilespmem:v0+s22+$0x0 ss:$0x1] =	vst.idx.msk $0xffff, v1  }
0x51: {  	v58 =	vld [tilespmem:s23+$0xFFFFFFE0];
	[tilespmem:v0+s22+$0x10 ss:$0x1] =	vst.idx.msk $0xffff, v3  }
0x52: {  	v59 =	vld [tilespmem:s23+$0xFFFFFFF0];
	[tilespmem:v0+s22+$0x20 ss:$0x1] =	vst.idx.msk $0xffff, v5  }
0x53: {  	s24 =	sshra.s32 s24, $0x2;
	v60 =	vld [tilespmem:s23+$0x0];
	[tilespmem:v0+s22+$0xFFFFFFC0 ss:$0x1] =	vst.idx.msk $0xffff, v2  }
0x54: {  	v61 =	vld [tilespmem:s23+$0x10];
	[tilespmem:v0+s24+$0x30 ss:$0x1] =	vst.idx.msk $0xffff, v4  }
0x55: {  	v62 =	vld [tilespmem:s23+$0x20];
	s21 =	sadd.s32 $0x1, s21;
	[tilespmem:v0+s24+$0xFFFFFFD0 ss:$0x1] =	vst.idx.msk $0xffff, v6  }
0x56: {  	v63 =	vld [tilespmem:s23+$0xFFFFFFC0];
	p0 =	sne.s32 s21, $0x4;
	[tilespmem:v0+s24+$0xFFFFFFE0 ss:$0x1] =	vst.idx.msk $0xffff, v58  }
.Ltmp5:
0x57: {  	[tilespmem:v0+s24+$0xFFFFFFF0 ss:$0x1] =	vst.idx.msk $0xffff, v59;
	(pc) =	sbr.rel @p0 .LBB1_5-.Ltmp5, $4  }
0x58: {  	[tilespmem:v0+s24+$0x0 ss:$0x1] =	vst.idx.msk $0xffff, v60  }
0x59: {  	[tilespmem:v0+s24+$0x10 ss:$0x1] =	vst.idx.msk $0xffff, v61  }
0x5a: {  	[tilespmem:v0+s24+$0x20 ss:$0x1] =	vst.idx.msk $0xffff, v62  }
0x5b: {  	s20 =	sadd.s32 $0x400, s20;
	s19 =	sadd.s32 $0x80, s19;
	[tilespmem:v0+s24+$0xFFFFFFC0 ss:$0x1] =	vst.idx.msk $0xffff, v63  }
0x5c: {  	s18 =	sadd.s32 $0x1, s18  }
0x5d: {  	p0 =	sne.s32 s18, s15  }
.Ltmp6:
0x5e: {  	_ = 	snop;
	(pc) =	sbr.rel @p0 .LBB1_4-.Ltmp6, $4  }
.Ltmp7:
0x5f: {  	_ = 	snop;
	(pc) =	sbr.rel @!p0 .LBB1_9-.Ltmp7, $4  }
0x60: {  	_ = 	snop  }
0x61: {  	_ = 	snop  }
0x62: {  	s16 =	sadd.s32 $0x1000, s16;
	s17 =	sadd.s32 $0x1000, s17  }
0x63: {  	_ = 	snop  }
.LBB1_11:
0x64: {  	_ =	sfence.sel $0x180000  }
0x65: {  	s2 =	simm.s32 $0x1;
	[bflag:$0x0] =	sbarrier.arrive $0xFFFF  }
0x66: {  	s31 =	simm.s32 $0x2;
	[sflag:s2] =	ssyncpa.u1 $0x1  }
0x67: {  	[sflag:s31] =	ssyncpa.u1 $0x1  }
0x68: {  	p0 =	sne.s32 s1, $0x0;
	_ =	strace $0x90000047  }
0x69: {  	s0 =	sadd.s32 @!p0 $0x100000, s0;
	[bflag:$0x2] =	sbarrier.arrive $0xFFFF  }
0x6a: {  	[sflag:s0] =	ssyncadd.tile.s32 @!p0 $0x1;
	_ =	shalt  }
.Lfunc_end1:
_tile_overlayer_lowered:
.L_overlay_start_2:
0x6b: {  	(tag) =	ssettag $0x2  }
0x6c: {  	s0 =	rddreg [dreg:$0x0];
	s2 =	stileid.u32  }
0x6d: {  	s1 =	rddreg [dreg:$0x1];
	p0 =	sne.s32 s2, $0x0  }
0x6e: {  	s3 =	rddreg [dreg:$0x2];
	[bflag:$0x3] =	sbarrier.arrive $0xFFFF;
	s2 =	simm.s32 @!p0 $0x1C01  }
0x6f: {  	[timem:s3], [sflag:s2] =	dma.local @!p0 [hbm:s0], s1  }
0x70: {  	s0 =	simm.s32 @!p0 $0x1  }
0x71: {  	_ =	swait.ge @!p0 [sflag:s0], s1  }
0x72: {  	s1 =	ssub.s32 @!p0 $0x0, s1;
	[sflag:s0] =	ssyncset.done @!p0 $0x0  }
0x73: {  	[sflag:s0] =	ssyncadd.s32 @!p0 s1  }
0x74: {  	[bflag:$0x3] =	sbarrier.arrive $0xFFFF  }
0x75: {  	_ =	shalt  }

</sc_bundles>
